<compile_context>
chip_gen: v7x
topology: tpu7x:2x2x1
jax: 0.10.2.dev20260603
libtpu: 0.0.44.dev20260713+nightly
codegen_flags: <defaults>
</compile_context>

<pallas_src>
import functools

import jax
import jax.numpy as jnp
from jax import lax
from jax.experimental import pallas as pl
from jax.experimental.pallas import tpu as pltpu
from jax.experimental.pallas import tpu_sc as plsc

_K = 20


def _topk_body(x_all_ref, x_rows_ref, xx_ref, xxt_ref, idx_ref, xt_ref, *, R, K):
    xa = x_all_ref[0]
    xr = x_rows_ref[0]
    d, N = xa.shape
    b = pl.program_id(0)

    inner2 = lax.dot_general(xr, xa, (((0,), (0,)), ((), ())),
                             preferred_element_type=jnp.float32)
    inner = -2.0 * inner2
    pd = (-xx_ref[0]) - inner
    pd = pd - xxt_ref[0]

    iota_m = lax.broadcasted_iota(jnp.int32, (R, N), 1)
    neg_inf = jnp.float32(-jnp.inf)

    pdw = pd
    for j in range(K):
        am = jnp.argmax(pdw, axis=1, keepdims=True)
        idx_ref[0, :, j:j + 1] = am + b * N
        if j < K - 1:
            pdw = jnp.where(iota_m == am, neg_inf, pdw)

    eyeR = (lax.broadcasted_iota(jnp.int32, (R, R), 0)
            == lax.broadcasted_iota(jnp.int32, (R, R), 1)).astype(jnp.float32)
    xt_ref[0] = lax.dot_general(eyeR, xr, (((1,), (1,)), ((), ())),
                                preferred_element_type=jnp.float32)


def _assemble_body(g_ref, x_rows_ref, o_ref, *, R, K):
    xr = x_rows_ref[0]
    d = xr.shape[0]
    Gb = g_ref[0]

    eye = (lax.broadcasted_iota(jnp.int32, (d, d), 0)
           == lax.broadcasted_iota(jnp.int32, (d, d), 1)).astype(jnp.float32)
    Ft = lax.dot_general(eye, Gb, (((1,), (1,)), ((), ())),
                         preferred_element_type=jnp.float32)

    li = lax.broadcasted_iota(jnp.int32, (R, R * K), 1)
    si = lax.broadcasted_iota(jnp.int32, (R, R * K), 0)
    rep = ((li >= si * K) & (li < si * K + K)).astype(jnp.float32)
    Ct = lax.dot_general(xr, rep, (((1,), (0,)), ((), ())),
                         preferred_element_type=jnp.float32)

    o_ref[0, 0:d, :] = Ft - Ct
    o_ref[0, d:2 * d, :] = Ct


def _sc_gather(BNK, d, CH, per_w, NC):
    mesh = plsc.VectorSubcoreMesh(core_axis_name="c", subcore_axis_name="s")

    GF = 4

    @functools.partial(
        pl.kernel, mesh=mesh,
        out_type=jax.ShapeDtypeStruct((BNK, d), jnp.float32),
        scratch_types=[
            pltpu.VMEM((per_w,), jnp.int32),
            pltpu.VMEM((GF * CH, d), jnp.float32),
            pltpu.SemaphoreType.DMA,
            pltpu.SemaphoreType.DMA,
        ],
    )
    def gathr(xt_hbm, gidx_hbm, out_hbm, idx_v, rows_v, gsem, wsem):
        wid = lax.axis_index("s") * NC + lax.axis_index("c")
        base = wid * per_w
        pltpu.sync_copy(gidx_hbm.at[pl.ds(base, per_w)], idx_v)

        def body(t, carry):
            off = t * (GF * CH)
            for g in range(GF):
                pltpu.async_copy(
                    xt_hbm.at[idx_v.at[pl.ds(off + g * CH, CH)]],
                    rows_v.at[pl.ds(g * CH, CH)], gsem)
            for g in range(GF):
                pltpu.make_async_copy(
                    xt_hbm.at[idx_v.at[pl.ds(off + g * CH, CH)]],
                    rows_v.at[pl.ds(g * CH, CH)], gsem).wait()
            pltpu.async_copy(rows_v, out_hbm.at[pl.ds(base + off, GF * CH)],
                             wsem).wait()
            return carry

        lax.fori_loop(0, per_w // (GF * CH), body, 0)

    return gathr


def kernel(x, k):
    B, d, N = x.shape
    K = _K
    R = 256

    xx = jnp.sum(x * x, axis=1, keepdims=True)
    xxt = jnp.swapaxes(xx, 1, 2)

    topk = functools.partial(_topk_body, R=R, K=K)
    gidx, xt = pl.pallas_call(
        topk,
        grid=(B, N // R),
        in_specs=[
            pl.BlockSpec((1, d, N), lambda b, i: (b, 0, 0)),
            pl.BlockSpec((1, d, R), lambda b, i: (b, 0, i)),
            pl.BlockSpec((1, 1, N), lambda b, i: (b, 0, 0)),
            pl.BlockSpec((1, R, 1), lambda b, i: (b, i, 0)),
        ],
        out_specs=[
            pl.BlockSpec((1, R, K), lambda b, i: (b, i, 0)),
            pl.BlockSpec((1, R, d), lambda b, i: (b, i, 0)),
        ],
        out_shape=[
            jax.ShapeDtypeStruct((B, N, K), jnp.int32),
            jax.ShapeDtypeStruct((B, N, d), jnp.float32),
        ],
    )(x, x, xx, xxt)

    info = plsc.get_sparse_core_info()
    NC, NS = info.num_cores, info.num_subcores
    NW = NC * NS
    BNK = B * N * K
    per_w = BNK // NW
    CH = 128

    G = _sc_gather(BNK, d, CH, per_w, NC)(
        xt.reshape(B * N, d), gidx.reshape(BNK))

    asm = functools.partial(_assemble_body, R=R, K=K)
    out_flat = pl.pallas_call(
        asm,
        grid=(B, N // R),
        in_specs=[
            pl.BlockSpec((1, R * K, d), lambda b, i: (b, i, 0)),
            pl.BlockSpec((1, d, R), lambda b, i: (b, 0, i)),
        ],
        out_specs=pl.BlockSpec((1, 2 * d, R * K), lambda b, i: (b, 0, i)),
        out_shape=jax.ShapeDtypeStruct((B, 2 * d, N * K), jnp.float32),
    )(G.reshape(B, N * K, d), x)
    return out_flat.reshape(B, 2 * d, N, K)

# --- scband reference (transcript-rebuilt; emitter-appended) ---
"""Pipeline reference for scband-fold-sdf-55619826483275 (READ-ONLY COPY).

The authoritative reference and input builder live on the scoring server;
editing this copy changes nothing except your own understanding.
"""

import jax, jax.numpy as jnp
import numpy as np


def setup_inputs(seed: int = 0) -> dict:
    key = jax.random.key(seed)
    x = jax.random.normal(key, (4, 128, 2048), dtype=jnp.float32)
    return {"x": x, "k": 20}


def reference(x, k):
    # Faithful jax translation of knn() + get_graph_feature() (DGCNN-style edge features)
    B, d, N = x.shape
    K = 20
    xt = jnp.swapaxes(x, 2, 1)                      # [B, N, d]
    inner = -2.0 * jnp.matmul(xt, x)                # [B, N, N]
    xx = jnp.sum(x * x, axis=1, keepdims=True)      # [B, 1, N]
    pairwise_distance = -xx - inner - jnp.swapaxes(xx, 2, 1)  # negative squared dist
    pairwise_distance = pairwise_distance + jnp.asarray(k - K, pairwise_distance.dtype) * 0.0
    _, idx = jax.lax.top_k(pairwise_distance, K)    # [B, N, k] nearest neighbors
    # gather neighbor features per batch (equivalent to flat idx + idx_base gather)
    feature = jax.vmap(lambda pts, ib: pts[ib])(xt, idx)       # [B, N, k, d]
    central = jnp.broadcast_to(xt[:, :, None, :], (B, N, K, d))
    out = jnp.concatenate([feature - central, central], axis=-1)  # [B, N, k, 2d]
    out = jnp.transpose(out, (0, 3, 1, 2))          # [B, 2d, N, k]
    return out

if __name__ == "__main__":
    import jax
    _d = setup_inputs()
    print(jax.jit(kernel)(*tuple(_d.values())))

</pallas_src>

<mosaic_0001>
#map = affine_map<(d0, d1) -> (0, 0)>
#map1 = affine_map<(d0, d1) -> (0)>
module attributes {stable_mosaic.version = 14 : i64} {
  func.func @gathr(%arg0: i32, %arg1: i32, %arg2: memref<8192x128xf32, #tpu.memory_space<hbm>>, %arg3: memref<163840xi32, #tpu.memory_space<hbm>>, %arg4: memref<163840x128xf32, #tpu.memory_space<hbm>>, %arg5: memref<5120xi32, #tpu.memory_space<vmem>>, %arg6: memref<512x128xf32, #tpu.memory_space<vmem>>, %arg7: memref<!tpu.dma_semaphore, #tpu.memory_space<semaphore_mem>>, %arg8: memref<!tpu.dma_semaphore, #tpu.memory_space<semaphore_mem>>) attributes {dimension_semantics = [#tpu.dimension_semantics<core_parallel>, #tpu.dimension_semantics<subcore_parallel>], iteration_bounds = array<i64: 2, 16>, scalar_prefetch = 0 : i64, scratch_operands = 4 : i64, tpu.core_type = #tpu.core_type<sc_vector_subcore>, window_params = [{transform_indices = #map}, {transform_indices = #map1}, {transform_indices = #map}]} {
    %mul3A = arith.constant 2 : i32
    %mul3A_0 = arith.muli %arg1, %mul3A : i32
    %add3A = arith.addi %mul3A_0, %arg0 : i32
    %mul3A_1 = arith.constant 5120 : i32
    %mul3A_2 = arith.muli %add3A, %mul3A_1 : i32
    "tpu.region"() ({
      %run_scoped3A = tpu.sem_alloc : memref<!tpu.dma_semaphore, #tpu.memory_space<semaphore_mem>>
      %dma_start3A = tpu.memref_slice %arg3[%mul3A_2] : memref<163840xi32, #tpu.memory_space<hbm>> -> memref<5120xi32, #tpu.memory_space<hbm>>
      %dma_start3A_8 = tpu.memref_slice %arg3[%mul3A_2] : memref<163840xi32, #tpu.memory_space<hbm>> -> memref<5120xi32, #tpu.memory_space<hbm>>
      tpu.enqueue_dma source(%dma_start3A_8 : memref<5120xi32, #tpu.memory_space<hbm>>) target(%arg5 : memref<5120xi32, #tpu.memory_space<vmem>>) target_semaphore(%run_scoped3A : memref<!tpu.dma_semaphore, #tpu.memory_space<semaphore_mem>>)
      %dma_wait3A = tpu.memref_slice %arg3[%mul3A_2] : memref<163840xi32, #tpu.memory_space<hbm>> -> memref<5120xi32, #tpu.memory_space<hbm>>
      %dma_wait3A_9 = tpu.memref_slice %arg3[%mul3A_2] : memref<163840xi32, #tpu.memory_space<hbm>> -> memref<5120xi32, #tpu.memory_space<hbm>>
      tpu.wait_dma2 semaphore(%run_scoped3A : memref<!tpu.dma_semaphore, #tpu.memory_space<semaphore_mem>>) src(%dma_wait3A_9 : memref<5120xi32, #tpu.memory_space<hbm>>) dst(%arg5 : memref<5120xi32, #tpu.memory_space<vmem>>)
      tpu.yield
    }) : () -> ()
    %scan3A = arith.constant 0 : i32
    %scan3A_3 = arith.constant 0 : i32
    %scan3A_4 = arith.constant 10 : i32
    %scan3A_5 = arith.addi %scan3A_3, %scan3A_4 : i32
    %scan3A_6 = arith.constant 1 : i32
    scf.for %scan3A_8 = %scan3A_3 to %scan3A_5 step %scan3A_6  : i32 {
      %mul3A_9 = arith.constant 512 : i32
      %mul3A_10 = arith.muli %scan3A_8, %mul3A_9 : i32
      %add3A_11 = arith.constant 0 : i32
      %add3A_12 = arith.addi %mul3A_10, %add3A_11 : i32
      %dma_start3A = arith.constant 0 : i32
      %dma_start3A_13 = arith.constant 0 : i32
      %dma_start3A_14 = tpu.memref_slice %arg6[%dma_start3A, %dma_start3A_13] : memref<512x128xf32, #tpu.memory_space<vmem>> -> memref<128x128xf32, #tpu.memory_space<vmem>>
      %dma_start3A_15 = tpu.memref_slice %arg5[%add3A_12] : memref<5120xi32, #tpu.memory_space<vmem>> -> memref<128xi32, #tpu.memory_space<vmem>>
      %dma_start3A_16 = arith.constant 0 : i32
      %dma_start3A_17 = arith.constant 0 : i32
      %dma_start3A_18 = tpu.memref_slice %arg2[%dma_start3A_16, %dma_start3A_17] : memref<8192x128xf32, #tpu.memory_space<hbm>> -> memref<8192x128xf32, #tpu.memory_space<hbm>>
      tpu.enqueue_indirect_dma source(%dma_start3A_18 : memref<8192x128xf32, #tpu.memory_space<hbm>>) target(%dma_start3A_14 : memref<128x128xf32, #tpu.memory_space<vmem>>) offsets(%dma_start3A_15 : memref<128xi32, #tpu.memory_space<vmem>>) semaphore(%arg7 : memref<!tpu.dma_semaphore, #tpu.memory_space<semaphore_mem>>)
      %add3A_19 = arith.constant 128 : i32
      %add3A_20 = arith.addi %mul3A_10, %add3A_19 : i32
      %dma_start3A_21 = arith.constant 128 : i32
      %dma_start3A_22 = arith.constant 0 : i32
      %dma_start3A_23 = tpu.memref_slice %arg6[%dma_start3A_21, %dma_start3A_22] : memref<512x128xf32, #tpu.memory_space<vmem>> -> memref<128x128xf32, #tpu.memory_space<vmem>>
      %dma_start3A_24 = tpu.memref_slice %arg5[%add3A_20] : memref<5120xi32, #tpu.memory_space<vmem>> -> memref<128xi32, #tpu.memory_space<vmem>>
      %dma_start3A_25 = arith.constant 0 : i32
      %dma_start3A_26 = arith.constant 0 : i32
      %dma_start3A_27 = tpu.memref_slice %arg2[%dma_start3A_25, %dma_start3A_26] : memref<8192x128xf32, #tpu.memory_space<hbm>> -> memref<8192x128xf32, #tpu.memory_space<hbm>>
      tpu.enqueue_indirect_dma source(%dma_start3A_27 : memref<8192x128xf32, #tpu.memory_space<hbm>>) target(%dma_start3A_23 : memref<128x128xf32, #tpu.memory_space<vmem>>) offsets(%dma_start3A_24 : memref<128xi32, #tpu.memory_space<vmem>>) semaphore(%arg7 : memref<!tpu.dma_semaphore, #tpu.memory_space<semaphore_mem>>)
      %add3A_28 = arith.constant 256 : i32
      %add3A_29 = arith.addi %mul3A_10, %add3A_28 : i32
      %dma_start3A_30 = arith.constant 256 : i32
      %dma_start3A_31 = arith.constant 0 : i32
      %dma_start3A_32 = tpu.memref_slice %arg6[%dma_start3A_30, %dma_start3A_31] : memref<512x128xf32, #tpu.memory_space<vmem>> -> memref<128x128xf32, #tpu.memory_space<vmem>>
      %dma_start3A_33 = tpu.memref_slice %arg5[%add3A_29] : memref<5120xi32, #tpu.memory_space<vmem>> -> memref<128xi32, #tpu.memory_space<vmem>>
      %dma_start3A_34 = arith.constant 0 : i32
      %dma_start3A_35 = arith.constant 0 : i32
      %dma_start3A_36 = tpu.memref_slice %arg2[%dma_start3A_34, %dma_start3A_35] : memref<8192x128xf32, #tpu.memory_space<hbm>> -> memref<8192x128xf32, #tpu.memory_space<hbm>>
      tpu.enqueue_indirect_dma source(%dma_start3A_36 : memref<8192x128xf32, #tpu.memory_space<hbm>>) target(%dma_start3A_32 : memref<128x128xf32, #tpu.memory_space<vmem>>) offsets(%dma_start3A_33 : memref<128xi32, #tpu.memory_space<vmem>>) semaphore(%arg7 : memref<!tpu.dma_semaphore, #tpu.memory_space<semaphore_mem>>)
      %add3A_37 = arith.constant 384 : i32
      %add3A_38 = arith.addi %mul3A_10, %add3A_37 : i32
      %dma_start3A_39 = arith.constant 384 : i32
      %dma_start3A_40 = arith.constant 0 : i32
      %dma_start3A_41 = tpu.memref_slice %arg6[%dma_start3A_39, %dma_start3A_40] : memref<512x128xf32, #tpu.memory_space<vmem>> -> memref<128x128xf32, #tpu.memory_space<vmem>>
      %dma_start3A_42 = tpu.memref_slice %arg5[%add3A_38] : memref<5120xi32, #tpu.memory_space<vmem>> -> memref<128xi32, #tpu.memory_space<vmem>>
      %dma_start3A_43 = arith.constant 0 : i32
      %dma_start3A_44 = arith.constant 0 : i32
      %dma_start3A_45 = tpu.memref_slice %arg2[%dma_start3A_43, %dma_start3A_44] : memref<8192x128xf32, #tpu.memory_space<hbm>> -> memref<8192x128xf32, #tpu.memory_space<hbm>>
      tpu.enqueue_indirect_dma source(%dma_start3A_45 : memref<8192x128xf32, #tpu.memory_space<hbm>>) target(%dma_start3A_41 : memref<128x128xf32, #tpu.memory_space<vmem>>) offsets(%dma_start3A_42 : memref<128xi32, #tpu.memory_space<vmem>>) semaphore(%arg7 : memref<!tpu.dma_semaphore, #tpu.memory_space<semaphore_mem>>)
      %add3A_46 = arith.constant 0 : i32
      %add3A_47 = arith.addi %mul3A_10, %add3A_46 : i32
      %dma_wait3A = arith.constant 0 : i32
      %dma_wait3A_48 = arith.constant 0 : i32
      %dma_wait3A_49 = tpu.memref_slice %arg6[%dma_wait3A, %dma_wait3A_48] : memref<512x128xf32, #tpu.memory_space<vmem>> -> memref<128x128xf32, #tpu.memory_space<vmem>>
      %dma_wait3A_50 = tpu.memref_slice %arg5[%add3A_47] : memref<5120xi32, #tpu.memory_space<vmem>> -> memref<128xi32, #tpu.memory_space<vmem>>
      %dma_wait3A_51 = arith.constant 0 : i32
      %dma_wait3A_52 = arith.constant 0 : i32
      %dma_wait3A_53 = tpu.memref_slice %arg2[%dma_wait3A_51, %dma_wait3A_52] : memref<8192x128xf32, #tpu.memory_space<hbm>> -> memref<8192x128xf32, #tpu.memory_space<hbm>>
      tpu.wait_indirect_dma semaphore(%arg7 : memref<!tpu.dma_semaphore, #tpu.memory_space<semaphore_mem>>) src(%dma_wait3A_53 : memref<8192x128xf32, #tpu.memory_space<hbm>>) dst(%dma_wait3A_49 : memref<128x128xf32, #tpu.memory_space<vmem>>)
      %add3A_54 = arith.constant 128 : i32
      %add3A_55 = arith.addi %mul3A_10, %add3A_54 : i32
      %dma_wait3A_56 = arith.constant 128 : i32
      %dma_wait3A_57 = arith.constant 0 : i32
      %dma_wait3A_58 = tpu.memref_slice %arg6[%dma_wait3A_56, %dma_wait3A_57] : memref<512x128xf32, #tpu.memory_space<vmem>> -> memref<128x128xf32, #tpu.memory_space<vmem>>
      %dma_wait3A_59 = tpu.memref_slice %arg5[%add3A_55] : memref<5120xi32, #tpu.memory_space<vmem>> -> memref<128xi32, #tpu.memory_space<vmem>>
      %dma_wait3A_60 = arith.constant 0 : i32
      %dma_wait3A_61 = arith.constant 0 : i32
      %dma_wait3A_62 = tpu.memref_slice %arg2[%dma_wait3A_60, %dma_wait3A_61] : memref<8192x128xf32, #tpu.memory_space<hbm>> -> memref<8192x128xf32, #tpu.memory_space<hbm>>
      tpu.wait_indirect_dma semaphore(%arg7 : memref<!tpu.dma_semaphore, #tpu.memory_space<semaphore_mem>>) src(%dma_wait3A_62 : memref<8192x128xf32, #tpu.memory_space<hbm>>) dst(%dma_wait3A_58 : memref<128x128xf32, #tpu.memory_space<vmem>>)
      %add3A_63 = arith.constant 256 : i32
      %add3A_64 = arith.addi %mul3A_10, %add3A_63 : i32
      %dma_wait3A_65 = arith.constant 256 : i32
      %dma_wait3A_66 = arith.constant 0 : i32
      %dma_wait3A_67 = tpu.memref_slice %arg6[%dma_wait3A_65, %dma_wait3A_66] : memref<512x128xf32, #tpu.memory_space<vmem>> -> memref<128x128xf32, #tpu.memory_space<vmem>>
      %dma_wait3A_68 = tpu.memref_slice %arg5[%add3A_64] : memref<5120xi32, #tpu.memory_space<vmem>> -> memref<128xi32, #tpu.memory_space<vmem>>
      %dma_wait3A_69 = arith.constant 0 : i32
      %dma_wait3A_70 = arith.constant 0 : i32
      %dma_wait3A_71 = tpu.memref_slice %arg2[%dma_wait3A_69, %dma_wait3A_70] : memref<8192x128xf32, #tpu.memory_space<hbm>> -> memref<8192x128xf32, #tpu.memory_space<hbm>>
      tpu.wait_indirect_dma semaphore(%arg7 : memref<!tpu.dma_semaphore, #tpu.memory_space<semaphore_mem>>) src(%dma_wait3A_71 : memref<8192x128xf32, #tpu.memory_space<hbm>>) dst(%dma_wait3A_67 : memref<128x128xf32, #tpu.memory_space<vmem>>)
      %add3A_72 = arith.constant 384 : i32
      %add3A_73 = arith.addi %mul3A_10, %add3A_72 : i32
      %dma_wait3A_74 = arith.constant 384 : i32
      %dma_wait3A_75 = arith.constant 0 : i32
      %dma_wait3A_76 = tpu.memref_slice %arg6[%dma_wait3A_74, %dma_wait3A_75] : memref<512x128xf32, #tpu.memory_space<vmem>> -> memref<128x128xf32, #tpu.memory_space<vmem>>
      %dma_wait3A_77 = tpu.memref_slice %arg5[%add3A_73] : memref<5120xi32, #tpu.memory_space<vmem>> -> memref<128xi32, #tpu.memory_space<vmem>>
      %dma_wait3A_78 = arith.constant 0 : i32
      %dma_wait3A_79 = arith.constant 0 : i32
      %dma_wait3A_80 = tpu.memref_slice %arg2[%dma_wait3A_78, %dma_wait3A_79] : memref<8192x128xf32, #tpu.memory_space<hbm>> -> memref<8192x128xf32, #tpu.memory_space<hbm>>
      tpu.wait_indirect_dma semaphore(%arg7 : memref<!tpu.dma_semaphore, #tpu.memory_space<semaphore_mem>>) src(%dma_wait3A_80 : memref<8192x128xf32, #tpu.memory_space<hbm>>) dst(%dma_wait3A_76 : memref<128x128xf32, #tpu.memory_space<vmem>>)
      %add3A_81 = arith.addi %mul3A_2, %mul3A_10 : i32
      %dma_start3A_82 = arith.constant 0 : i32
      %dma_start3A_83 = tpu.memref_slice %arg4[%add3A_81, %dma_start3A_82] : memref<163840x128xf32, #tpu.memory_space<hbm>> -> memref<512x128xf32, #tpu.memory_space<hbm>>
      %dma_start3A_84 = arith.constant 0 : i32
      %dma_start3A_85 = tpu.memref_slice %arg4[%add3A_81, %dma_start3A_84] : memref<163840x128xf32, #tpu.memory_space<hbm>> -> memref<512x128xf32, #tpu.memory_space<hbm>>
      tpu.enqueue_dma source(%arg6 : memref<512x128xf32, #tpu.memory_space<vmem>>) target(%dma_start3A_85 : memref<512x128xf32, #tpu.memory_space<hbm>>) target_semaphore(%arg8 : memref<!tpu.dma_semaphore, #tpu.memory_space<semaphore_mem>>)
      %dma_wait3A_86 = arith.constant 0 : i32
      %dma_wait3A_87 = tpu.memref_slice %arg4[%add3A_81, %dma_wait3A_86] : memref<163840x128xf32, #tpu.memory_space<hbm>> -> memref<512x128xf32, #tpu.memory_space<hbm>>
      %dma_wait3A_88 = arith.constant 0 : i32
      %dma_wait3A_89 = tpu.memref_slice %arg4[%add3A_81, %dma_wait3A_88] : memref<163840x128xf32, #tpu.memory_space<hbm>> -> memref<512x128xf32, #tpu.memory_space<hbm>>
      tpu.wait_dma2 semaphore(%arg8 : memref<!tpu.dma_semaphore, #tpu.memory_space<semaphore_mem>>) src(%arg6 : memref<512x128xf32, #tpu.memory_space<vmem>>) dst(%dma_wait3A_89 : memref<512x128xf32, #tpu.memory_space<hbm>>)
    }
    %scan3A_7 = arith.constant 10 : i32
    return
  }
}

module attributes {stable_mosaic.version = 14 : i64} {
  func.func @_topk_body(%arg0: i32, %arg1: i32, %arg2: memref<1x128x2048xf32, #tpu.memory_space<vmem>>, %arg3: memref<1x128x256xf32, #tpu.memory_space<vmem>>, %arg4: memref<1x1x2048xf32, #tpu.memory_space<vmem>>, %arg5: memref<1x256x1xf32, #tpu.memory_space<vmem>>, %arg6: memref<1x256x20xi32, #tpu.memory_space<vmem>>, %arg7: memref<1x256x128xf32, #tpu.memory_space<vmem>>) attributes {dimension_semantics = [#tpu.dimension_semantics<arbitrary>, #tpu.dimension_semantics<arbitrary>], iteration_bounds = array<i64: 4, 8>, scalar_prefetch = 0 : i64, scratch_operands = 0 : i64, tpu.core_type = #tpu.core_type<tc>, window_params = [{transform_indices = @transform_0, window_bounds = array<i64: 1, 128, 2048>}, {transform_indices = @transform_1, window_bounds = array<i64: 1, 128, 256>}, {transform_indices = @transform_2, window_bounds = array<i64: 1, 1, 2048>}, {transform_indices = @transform_3, window_bounds = array<i64: 1, 256, 1>}, {transform_indices = @transform_4, window_bounds = array<i64: 1, 256, 20>}, {transform_indices = @transform_5, window_bounds = array<i64: 1, 256, 128>}]} {
    %get3A = arith.constant 0 : index
    %get3A_0 = arith.constant 0 : index
    %get3A_1 = arith.constant 0 : index
    %get3A_2 = vector.load %arg2[%get3A, %get3A_0, %get3A_1] : memref<1x128x2048xf32, #tpu.memory_space<vmem>>, vector<1x128x2048xf32>
    %get3A_3 = vector.shape_cast %get3A_2 : vector<1x128x2048xf32> to vector<128x2048xf32>
    %get3A_4 = arith.constant 0 : index
    %get3A_5 = arith.constant 0 : index
    %get3A_6 = arith.constant 0 : index
    %get3A_7 = vector.load %arg3[%get3A_4, %get3A_5, %get3A_6] : memref<1x128x256xf32, #tpu.memory_space<vmem>>, vector<1x128x256xf32>
    %get3A_8 = vector.shape_cast %get3A_7 : vector<1x128x256xf32> to vector<128x256xf32>
    %dot_general3A = arith.constant dense<0.000000e+00> : vector<256x2048xf32>
    %dot_general3A_9 = tpu.matmul %get3A_8, %get3A_3, %dot_general3A {dimension_numbers = #tpu.dot_dimension_numbers<[0], [0], [1], [1], [0, 1, 1, 1], [], []>, transpose_lhs_hint = false} : vector<128x256xf32>, vector<128x2048xf32>, vector<256x2048xf32> -> vector<256x2048xf32>
    %mul3A = arith.constant -2.000000e+00 : f32
    %mul3A_10 = vector.broadcast %mul3A : f32 to vector<256x2048xf32>
    %mul3A_11 = arith.mulf %mul3A_10, %dot_general3A_9 : vector<256x2048xf32>
    %get3A_12 = arith.constant 0 : index
    %get3A_13 = arith.constant 0 : index
    %get3A_14 = arith.constant 0 : index
    %get3A_15 = vector.load %arg4[%get3A_12, %get3A_13, %get3A_14] : memref<1x1x2048xf32, #tpu.memory_space<vmem>>, vector<1x1x2048xf32>
    %get3A_16 = vector.shape_cast %get3A_15 : vector<1x1x2048xf32> to vector<1x2048xf32>
    %neg3A = arith.constant 0.000000e+00 : f32
    %neg3A_17 = vector.broadcast %neg3A : f32 to vector<1x2048xf32>
    %neg3A_18 = arith.subf %neg3A_17, %get3A_16 : vector<1x2048xf32>
    %sub3A = vector.broadcast %neg3A_18 : vector<1x2048xf32> to vector<256x2048xf32>
    %sub3A_19 = arith.subf %sub3A, %mul3A_11 : vector<256x2048xf32>
    %get3A_20 = arith.constant 0 : index
    %get3A_21 = arith.constant 0 : index
    %get3A_22 = arith.constant 0 : index
    %get3A_23 = vector.load %arg5[%get3A_20, %get3A_21, %get3A_22] : memref<1x256x1xf32, #tpu.memory_space<vmem>>, vector<1x256x1xf32>
    %get3A_24 = vector.shape_cast %get3A_23 : vector<1x256x1xf32> to vector<256x1xf32>
    %sub3A_25 = vector.broadcast %get3A_24 : vector<256x1xf32> to vector<256x2048xf32>
    %sub3A_26 = arith.subf %sub3A_19, %sub3A_25 : vector<256x2048xf32>
    %iota3A = tpu.iota {dimensions = array<i32: 1>} : vector<256x2048xi32>
    %argmax3A = tpu.reduce_index %sub3A_26 {axis = 1 : i32, kind = #tpu.reduction_kind<arg_max>} : vector<256x2048xf32> -> vector<256xi32>
    %broadcast_in_dim3A = vector.shape_cast %argmax3A : vector<256xi32> to vector<256x1xi32>
    %mul3A_27 = arith.constant 2048 : i32
    %mul3A_28 = arith.muli %arg0, %mul3A_27 : i32
    %add3A = vector.broadcast %mul3A_28 : i32 to vector<256x1xi32>
    %add3A_29 = arith.addi %broadcast_in_dim3A, %add3A : vector<256x1xi32>
    %swap3A = arith.constant 0 : index
    %swap3A_30 = arith.constant 0 : index
    %swap3A_31 = arith.constant 0 : index
    %swap3A_32 = vector.load %arg6[%swap3A, %swap3A_30, %swap3A_31] : memref<1x256x20xi32, #tpu.memory_space<vmem>>, vector<1x256x1xi32>
    %swap3A_33 = vector.shape_cast %swap3A_32 : vector<1x256x1xi32> to vector<256x1xi32>
    %swap3A_34 = vector.shape_cast %add3A_29 : vector<256x1xi32> to vector<1x256x1xi32>
    tpu.vector_store %arg6[%swap3A, %swap3A_30, %swap3A_31], %swap3A_34 {strides = array<i32>} : memref<1x256x20xi32, #tpu.memory_space<vmem>>, vector<1x256x1xi32>,
    %eq3A = vector.broadcast %broadcast_in_dim3A : vector<256x1xi32> to vector<256x2048xi32>
    %eq3A_35 = arith.cmpi eq, %iota3A, %eq3A : vector<256x2048xi32>
    %jit3A = arith.constant 0xFF800000 : f32
    %broadcast_in_dim3A_36 = vector.broadcast %jit3A : f32 to vector<256x2048xf32>
    %select_n3A = arith.select %eq3A_35, %broadcast_in_dim3A_36, %sub3A_26 : vector<256x2048xi1>, vector<256x2048xf32>
    %argmax3A_37 = tpu.reduce_index %select_n3A {axis = 1 : i32, kind = #tpu.reduction_kind<arg_max>} : vector<256x2048xf32> -> vector<256xi32>
    %broadcast_in_dim3A_38 = vector.shape_cast %argmax3A_37 : vector<256xi32> to vector<256x1xi32>
    %mul3A_39 = arith.constant 2048 : i32
    %mul3A_40 = arith.muli %arg0, %mul3A_39 : i32
    %add3A_41 = vector.broadcast %mul3A_40 : i32 to vector<256x1xi32>
    %add3A_42 = arith.addi %broadcast_in_dim3A_38, %add3A_41 : vector<256x1xi32>
    %swap3A_43 = arith.constant 0 : index
    %swap3A_44 = arith.constant 0 : index
    %swap3A_45 = arith.constant 1 : index
    %swap3A_46 = vector.load %arg6[%swap3A_43, %swap3A_44, %swap3A_45] : memref<1x256x20xi32, #tpu.memory_space<vmem>>, vector<1x256x1xi32>
    %swap3A_47 = vector.shape_cast %swap3A_46 : vector<1x256x1xi32> to vector<256x1xi32>
    %swap3A_48 = vector.shape_cast %add3A_42 : vector<256x1xi32> to vector<1x256x1xi32>
    tpu.vector_store %arg6[%swap3A_43, %swap3A_44, %swap3A_45], %swap3A_48 {strides = array<i32>} : memref<1x256x20xi32, #tpu.memory_space<vmem>>, vector<1x256x1xi32>,
    %eq3A_49 = vector.broadcast %broadcast_in_dim3A_38 : vector<256x1xi32> to vector<256x2048xi32>
    %eq3A_50 = arith.cmpi eq, %iota3A, %eq3A_49 : vector<256x2048xi32>
    %jit3A_51 = arith.constant 0xFF800000 : f32
    %broadcast_in_dim3A_52 = vector.broadcast %jit3A_51 : f32 to vector<256x2048xf32>
    %select_n3A_53 = arith.select %eq3A_50, %broadcast_in_dim3A_52, %select_n3A : vector<256x2048xi1>, vector<256x2048xf32>
    %argmax3A_54 = tpu.reduce_index %select_n3A_53 {axis = 1 : i32, kind = #tpu.reduction_kind<arg_max>} : vector<256x2048xf32> -> vector<256xi32>
    %broadcast_in_dim3A_55 = vector.shape_cast %argmax3A_54 : vector<256xi32> to vector<256x1xi32>
    %mul3A_56 = arith.constant 2048 : i32
    %mul3A_57 = arith.muli %arg0, %mul3A_56 : i32
    %add3A_58 = vector.broadcast %mul3A_57 : i32 to vector<256x1xi32>
    %add3A_59 = arith.addi %broadcast_in_dim3A_55, %add3A_58 : vector<256x1xi32>
    %swap3A_60 = arith.constant 0 : index
    %swap3A_61 = arith.constant 0 : index
    %swap3A_62 = arith.constant 2 : index
    %swap3A_63 = vector.load %arg6[%swap3A_60, %swap3A_61, %swap3A_62] : memref<1x256x20xi32, #tpu.memory_space<vmem>>, vector<1x256x1xi32>
    %swap3A_64 = vector.shape_cast %swap3A_63 : vector<1x256x1xi32> to vector<256x1xi32>
    %swap3A_65 = vector.shape_cast %add3A_59 : vector<256x1xi32> to vector<1x256x1xi32>
    tpu.vector_store %arg6[%swap3A_60, %swap3A_61, %swap3A_62], %swap3A_65 {strides = array<i32>} : memref<1x256x20xi32, #tpu.memory_space<vmem>>, vector<1x256x1xi32>,
    %eq3A_66 = vector.broadcast %broadcast_in_dim3A_55 : vector<256x1xi32> to vector<256x2048xi32>
    %eq3A_67 = arith.cmpi eq, %iota3A, %eq3A_66 : vector<256x2048xi32>
    %jit3A_68 = arith.constant 0xFF800000 : f32
    %broadcast_in_dim3A_69 = vector.broadcast %jit3A_68 : f32 to vector<256x2048xf32>
    %select_n3A_70 = arith.select %eq3A_67, %broadcast_in_dim3A_69, %select_n3A_53 : vector<256x2048xi1>, vector<256x2048xf32>
    %argmax3A_71 = tpu.reduce_index %select_n3A_70 {axis = 1 : i32, kind = #tpu.reduction_kind<arg_max>} : vector<256x2048xf32> -> vector<256xi32>
    %broadcast_in_dim3A_72 = vector.shape_cast %argmax3A_71 : vector<256xi32> to vector<256x1xi32>
    %mul3A_73 = arith.constant 2048 : i32
    %mul3A_74 = arith.muli %arg0, %mul3A_73 : i32
    %add3A_75 = vector.broadcast %mul3A_74 : i32 to vector<256x1xi32>
    %add3A_76 = arith.addi %broadcast_in_dim3A_72, %add3A_75 : vector<256x1xi32>
    %swap3A_77 = arith.constant 0 : index
    %swap3A_78 = arith.constant 0 : index
    %swap3A_79 = arith.constant 3 : index
    %swap3A_80 = vector.load %arg6[%swap3A_77, %swap3A_78, %swap3A_79] : memref<1x256x20xi32, #tpu.memory_space<vmem>>, vector<1x256x1xi32>
    %swap3A_81 = vector.shape_cast %swap3A_80 : vector<1x256x1xi32> to vector<256x1xi32>
    %swap3A_82 = vector.shape_cast %add3A_76 : vector<256x1xi32> to vector<1x256x1xi32>
    tpu.vector_store %arg6[%swap3A_77, %swap3A_78, %swap3A_79], %swap3A_82 {strides = array<i32>} : memref<1x256x20xi32, #tpu.memory_space<vmem>>, vector<1x256x1xi32>,
    %eq3A_83 = vector.broadcast %broadcast_in_dim3A_72 : vector<256x1xi32> to vector<256x2048xi32>
    %eq3A_84 = arith.cmpi eq, %iota3A, %eq3A_83 : vector<256x2048xi32>
    %jit3A_85 = arith.constant 0xFF800000 : f32
    %broadcast_in_dim3A_86 = vector.broadcast %jit3A_85 : f32 to vector<256x2048xf32>
    %select_n3A_87 = arith.select %eq3A_84, %broadcast_in_dim3A_86, %select_n3A_70 : vector<256x2048xi1>, vector<256x2048xf32>
    %argmax3A_88 = tpu.reduce_index %select_n3A_87 {axis = 1 : i32, kind = #tpu.reduction_kind<arg_max>} : vector<256x2048xf32> -> vector<256xi32>
    %broadcast_in_dim3A_89 = vector.shape_cast %argmax3A_88 : vector<256xi32> to vector<256x1xi32>
    %mul3A_90 = arith.constant 2048 : i32
    %mul3A_91 = arith.muli %arg0, %mul3A_90 : i32
    %add3A_92 = vector.broadcast %mul3A_91 : i32 to vector<256x1xi32>
    %add3A_93 = arith.addi %broadcast_in_dim3A_89, %add3A_92 : vector<256x1xi32>
    %swap3A_94 = arith.constant 0 : index
    %swap3A_95 = arith.constant 0 : index
    %swap3A_96 = arith.constant 4 : index
    %swap3A_97 = vector.load %arg6[%swap3A_94, %swap3A_95, %swap3A_96] : memref<1x256x20xi32, #tpu.memory_space<vmem>>, vector<1x256x1xi32>
    %swap3A_98 = vector.shape_cast %swap3A_97 : vector<1x256x1xi32> to vector<256x1xi32>
    %swap3A_99 = vector.shape_cast %add3A_93 : vector<256x1xi32> to vector<1x256x1xi32>
    tpu.vector_store %arg6[%swap3A_94, %swap3A_95, %swap3A_96], %swap3A_99 {strides = array<i32>} : memref<1x256x20xi32, #tpu.memory_space<vmem>>, vector<1x256x1xi32>,
    %eq3A_100 = vector.broadcast %broadcast_in_dim3A_89 : vector<256x1xi32> to vector<256x2048xi32>
    %eq3A_101 = arith.cmpi eq, %iota3A, %eq3A_100 : vector<256x2048xi32>
    %jit3A_102 = arith.constant 0xFF800000 : f32
    %broadcast_in_dim3A_103 = vector.broadcast %jit3A_102 : f32 to vector<256x2048xf32>
    %select_n3A_104 = arith.select %eq3A_101, %broadcast_in_dim3A_103, %select_n3A_87 : vector<256x2048xi1>, vector<256x2048xf32>
    %argmax3A_105 = tpu.reduce_index %select_n3A_104 {axis = 1 : i32, kind = #tpu.reduction_kind<arg_max>} : vector<256x2048xf32> -> vector<256xi32>
    %broadcast_in_dim3A_106 = vector.shape_cast %argmax3A_105 : vector<256xi32> to vector<256x1xi32>
    %mul3A_107 = arith.constant 2048 : i32
    %mul3A_108 = arith.muli %arg0, %mul3A_107 : i32
    %add3A_109 = vector.broadcast %mul3A_108 : i32 to vector<256x1xi32>
    %add3A_110 = arith.addi %broadcast_in_dim3A_106, %add3A_109 : vector<256x1xi32>
    %swap3A_111 = arith.constant 0 : index
    %swap3A_112 = arith.constant 0 : index
    %swap3A_113 = arith.constant 5 : index
    %swap3A_114 = vector.load %arg6[%swap3A_111, %swap3A_112, %swap3A_113] : memref<1x256x20xi32, #tpu.memory_space<vmem>>, vector<1x256x1xi32>
    %swap3A_115 = vector.shape_cast %swap3A_114 : vector<1x256x1xi32> to vector<256x1xi32>
    %swap3A_116 = vector.shape_cast %add3A_110 : vector<256x1xi32> to vector<1x256x1xi32>
    tpu.vector_store %arg6[%swap3A_111, %swap3A_112, %swap3A_113], %swap3A_116 {strides = array<i32>} : memref<1x256x20xi32, #tpu.memory_space<vmem>>, vector<1x256x1xi32>,
    %eq3A_117 = vector.broadcast %broadcast_in_dim3A_106 : vector<256x1xi32> to vector<256x2048xi32>
    %eq3A_118 = arith.cmpi eq, %iota3A, %eq3A_117 : vector<256x2048xi32>
    %jit3A_119 = arith.constant 0xFF800000 : f32
    %broadcast_in_dim3A_120 = vector.broadcast %jit3A_119 : f32 to vector<256x2048xf32>
    %select_n3A_121 = arith.select %eq3A_118, %broadcast_in_dim3A_120, %select_n3A_104 : vector<256x2048xi1>, vector<256x2048xf32>
    %argmax3A_122 = tpu.reduce_index %select_n3A_121 {axis = 1 : i32, kind = #tpu.reduction_kind<arg_max>} : vector<256x2048xf32> -> vector<256xi32>
    %broadcast_in_dim3A_123 = vector.shape_cast %argmax3A_122 : vector<256xi32> to vector<256x1xi32>
    %mul3A_124 = arith.constant 2048 : i32
    %mul3A_125 = arith.muli %arg0, %mul3A_124 : i32
    %add3A_126 = vector.broadcast %mul3A_125 : i32 to vector<256x1xi32>
    %add3A_127 = arith.addi %broadcast_in_dim3A_123, %add3A_126 : vector<256x1xi32>
    %swap3A_128 = arith.constant 0 : index
    %swap3A_129 = arith.constant 0 : index
    %swap3A_130 = arith.constant 6 : index
    %swap3A_131 = vector.load %arg6[%swap3A_128, %swap3A_129, %swap3A_130] : memref<1x256x20xi32, #tpu.memory_space<vmem>>, vector<1x256x1xi32>
    %swap3A_132 = vector.shape_cast %swap3A_131 : vector<1x256x1xi32> to vector<256x1xi32>
    %swap3A_133 = vector.shape_cast %add3A_127 : vector<256x1xi32> to vector<1x256x1xi32>
    tpu.vector_store %arg6[%swap3A_128, %swap3A_129, %swap3A_130], %swap3A_133 {strides = array<i32>} : memref<1x256x20xi32, #tpu.memory_space<vmem>>, vector<1x256x1xi32>,
    %eq3A_134 = vector.broadcast %broadcast_in_dim3A_123 : vector<256x1xi32> to vector<256x2048xi32>
    %eq3A_135 = arith.cmpi eq, %iota3A, %eq3A_134 : vector<256x2048xi32>
    %jit3A_136 = arith.constant 0xFF800000 : f32
    %broadcast_in_dim3A_137 = vector.broadcast %jit3A_136 : f32 to vector<256x2048xf32>
    %select_n3A_138 = arith.select %eq3A_135, %broadcast_in_dim3A_137, %select_n3A_121 : vector<256x2048xi1>, vector<256x2048xf32>
    %argmax3A_139 = tpu.reduce_index %select_n3A_138 {axis = 1 : i32, kind = #tpu.reduction_kind<arg_max>} : vector<256x2048xf32> -> vector<256xi32>
    %broadcast_in_dim3A_140 = vector.shape_cast %argmax3A_139 : vector<256xi32> to vector<256x1xi32>
    %mul3A_141 = arith.constant 2048 : i32
    %mul3A_142 = arith.muli %arg0, %mul3A_141 : i32
    %add3A_143 = vector.broadcast %mul3A_142 : i32 to vector<256x1xi32>
    %add3A_144 = arith.addi %broadcast_in_dim3A_140, %add3A_143 : vector<256x1xi32>
    %swap3A_145 = arith.constant 0 : index
    %swap3A_146 = arith.constant 0 : index
    %swap3A_147 = arith.constant 7 : index
    %swap3A_148 = vector.load %arg6[%swap3A_145, %swap3A_146, %swap3A_147] : memref<1x256x20xi32, #tpu.memory_space<vmem>>, vector<1x256x1xi32>
    %swap3A_149 = vector.shape_cast %swap3A_148 : vector<1x256x1xi32> to vector<256x1xi32>
    %swap3A_150 = vector.shape_cast %add3A_144 : vector<256x1xi32> to vector<1x256x1xi32>
    tpu.vector_store %arg6[%swap3A_145, %swap3A_146, %swap3A_147], %swap3A_150 {strides = array<i32>} : memref<1x256x20xi32, #tpu.memory_space<vmem>>, vector<1x256x1xi32>,
    %eq3A_151 = vector.broadcast %broadcast_in_dim3A_140 : vector<256x1xi32> to vector<256x2048xi32>
    %eq3A_152 = arith.cmpi eq, %iota3A, %eq3A_151 : vector<256x2048xi32>
    %jit3A_153 = arith.constant 0xFF800000 : f32
    %broadcast_in_dim3A_154 = vector.broadcast %jit3A_153 : f32 to vector<256x2048xf32>
    %select_n3A_155 = arith.select %eq3A_152, %broadcast_in_dim3A_154, %select_n3A_138 : vector<256x2048xi1>, vector<256x2048xf32>
    %argmax3A_156 = tpu.reduce_index %select_n3A_155 {axis = 1 : i32, kind = #tpu.reduction_kind<arg_max>} : vector<256x2048xf32> -> vector<256xi32>
    %broadcast_in_dim3A_157 = vector.shape_cast %argmax3A_156 : vector<256xi32> to vector<256x1xi32>
    %mul3A_158 = arith.constant 2048 : i32
    %mul3A_159 = arith.muli %arg0, %mul3A_158 : i32
    %add3A_160 = vector.broadcast %mul3A_159 : i32 to vector<256x1xi32>
    %add3A_161 = arith.addi %broadcast_in_dim3A_157, %add3A_160 : vector<256x1xi32>
    %swap3A_162 = arith.constant 0 : index
    %swap3A_163 = arith.constant 0 : index
    %swap3A_164 = arith.constant 8 : index
    %swap3A_165 = vector.load %arg6[%swap3A_162, %swap3A_163, %swap3A_164] : memref<1x256x20xi32, #tpu.memory_space<vmem>>, vector<1x256x1xi32>
    %swap3A_166 = vector.shape_cast %swap3A_165 : vector<1x256x1xi32> to vector<256x1xi32>
    %swap3A_167 = vector.shape_cast %add3A_161 : vector<256x1xi32> to vector<1x256x1xi32>
    tpu.vector_store %arg6[%swap3A_162, %swap3A_163, %swap3A_164], %swap3A_167 {strides = array<i32>} : memref<1x256x20xi32, #tpu.memory_space<vmem>>, vector<1x256x1xi32>,
    %eq3A_168 = vector.broadcast %broadcast_in_dim3A_157 : vector<256x1xi32> to vector<256x2048xi32>
    %eq3A_169 = arith.cmpi eq, %iota3A, %eq3A_168 : vector<256x2048xi32>
    %jit3A_170 = arith.constant 0xFF800000 : f32
    %broadcast_in_dim3A_171 = vector.broadcast %jit3A_170 : f32 to vector<256x2048xf32>
    %select_n3A_172 = arith.select %eq3A_169, %broadcast_in_dim3A_171, %select_n3A_155 : vector<256x2048xi1>, vector<256x2048xf32>
    %argmax3A_173 = tpu.reduce_index %select_n3A_172 {axis = 1 : i32, kind = #tpu.reduction_kind<arg_max>} : vector<256x2048xf32> -> vector<256xi32>
    %broadcast_in_dim3A_174 = vector.shape_cast %argmax3A_173 : vector<256xi32> to vector<256x1xi32>
    %mul3A_175 = arith.constant 2048 : i32
    %mul3A_176 = arith.muli %arg0, %mul3A_175 : i32
    %add3A_177 = vector.broadcast %mul3A_176 : i32 to vector<256x1xi32>
    %add3A_178 = arith.addi %broadcast_in_dim3A_174, %add3A_177 : vector<256x1xi32>
    %swap3A_179 = arith.constant 0 : index
    %swap3A_180 = arith.constant 0 : index
    %swap3A_181 = arith.constant 9 : index
    %swap3A_182 = vector.load %arg6[%swap3A_179, %swap3A_180, %swap3A_181] : memref<1x256x20xi32, #tpu.memory_space<vmem>>, vector<1x256x1xi32>
    %swap3A_183 = vector.shape_cast %swap3A_182 : vector<1x256x1xi32> to vector<256x1xi32>
    %swap3A_184 = vector.shape_cast %add3A_178 : vector<256x1xi32> to vector<1x256x1xi32>
    tpu.vector_store %arg6[%swap3A_179, %swap3A_180, %swap3A_181], %swap3A_184 {strides = array<i32>} : memref<1x256x20xi32, #tpu.memory_space<vmem>>, vector<1x256x1xi32>,
    %eq3A_185 = vector.broadcast %broadcast_in_dim3A_174 : vector<256x1xi32> to vector<256x2048xi32>
    %eq3A_186 = arith.cmpi eq, %iota3A, %eq3A_185 : vector<256x2048xi32>
    %jit3A_187 = arith.constant 0xFF800000 : f32
    %broadcast_in_dim3A_188 = vector.broadcast %jit3A_187 : f32 to vector<256x2048xf32>
    %select_n3A_189 = arith.select %eq3A_186, %broadcast_in_dim3A_188, %select_n3A_172 : vector<256x2048xi1>, vector<256x2048xf32>
    %argmax3A_190 = tpu.reduce_index %select_n3A_189 {axis = 1 : i32, kind = #tpu.reduction_kind<arg_max>} : vector<256x2048xf32> -> vector<256xi32>
    %broadcast_in_dim3A_191 = vector.shape_cast %argmax3A_190 : vector<256xi32> to vector<256x1xi32>
    %mul3A_192 = arith.constant 2048 : i32
    %mul3A_193 = arith.muli %arg0, %mul3A_192 : i32
    %add3A_194 = vector.broadcast %mul3A_193 : i32 to vector<256x1xi32>
    %add3A_195 = arith.addi %broadcast_in_dim3A_191, %add3A_194 : vector<256x1xi32>
    %swap3A_196 = arith.constant 0 : index
    %swap3A_197 = arith.constant 0 : index
    %swap3A_198 = arith.constant 10 : index
    %swap3A_199 = vector.load %arg6[%swap3A_196, %swap3A_197, %swap3A_198] : memref<1x256x20xi32, #tpu.memory_space<vmem>>, vector<1x256x1xi32>
    %swap3A_200 = vector.shape_cast %swap3A_199 : vector<1x256x1xi32> to vector<256x1xi32>
    %swap3A_201 = vector.shape_cast %add3A_195 : vector<256x1xi32> to vector<1x256x1xi32>
    tpu.vector_store %arg6[%swap3A_196, %swap3A_197, %swap3A_198], %swap3A_201 {strides = array<i32>} : memref<1x256x20xi32, #tpu.memory_space<vmem>>, vector<1x256x1xi32>,
    %eq3A_202 = vector.broadcast %broadcast_in_dim3A_191 : vector<256x1xi32> to vector<256x2048xi32>
    %eq3A_203 = arith.cmpi eq, %iota3A, %eq3A_202 : vector<256x2048xi32>
    %jit3A_204 = arith.constant 0xFF800000 : f32
    %broadcast_in_dim3A_205 = vector.broadcast %jit3A_204 : f32 to vector<256x2048xf32>
    %select_n3A_206 = arith.select %eq3A_203, %broadcast_in_dim3A_205, %select_n3A_189 : vector<256x2048xi1>, vector<256x2048xf32>
    %argmax3A_207 = tpu.reduce_index %select_n3A_206 {axis = 1 : i32, kind = #tpu.reduction_kind<arg_max>} : vector<256x2048xf32> -> vector<256xi32>
    %broadcast_in_dim3A_208 = vector.shape_cast %argmax3A_207 : vector<256xi32> to vector<256x1xi32>
    %mul3A_209 = arith.constant 2048 : i32
    %mul3A_210 = arith.muli %arg0, %mul3A_209 : i32
    %add3A_211 = vector.broadcast %mul3A_210 : i32 to vector<256x1xi32>
    %add3A_212 = arith.addi %broadcast_in_dim3A_208, %add3A_211 : vector<256x1xi32>
    %swap3A_213 = arith.constant 0 : index
    %swap3A_214 = arith.constant 0 : index
    %swap3A_215 = arith.constant 11 : index
    %swap3A_216 = vector.load %arg6[%swap3A_213, %swap3A_214, %swap3A_215] : memref<1x256x20xi32, #tpu.memory_space<vmem>>, vector<1x256x1xi32>
    %swap3A_217 = vector.shape_cast %swap3A_216 : vector<1x256x1xi32> to vector<256x1xi32>
    %swap3A_218 = vector.shape_cast %add3A_212 : vector<256x1xi32> to vector<1x256x1xi32>
    tpu.vector_store %arg6[%swap3A_213, %swap3A_214, %swap3A_215], %swap3A_218 {strides = array<i32>} : memref<1x256x20xi32, #tpu.memory_space<vmem>>, vector<1x256x1xi32>,
    %eq3A_219 = vector.broadcast %broadcast_in_dim3A_208 : vector<256x1xi32> to vector<256x2048xi32>
    %eq3A_220 = arith.cmpi eq, %iota3A, %eq3A_219 : vector<256x2048xi32>
    %jit3A_221 = arith.constant 0xFF800000 : f32
    %broadcast_in_dim3A_222 = vector.broadcast %jit3A_221 : f32 to vector<256x2048xf32>
    %select_n3A_223 = arith.select %eq3A_220, %broadcast_in_dim3A_222, %select_n3A_206 : vector<256x2048xi1>, vector<256x2048xf32>
    %argmax3A_224 = tpu.reduce_index %select_n3A_223 {axis = 1 : i32, kind = #tpu.reduction_kind<arg_max>} : vector<256x2048xf32> -> vector<256xi32>
    %broadcast_in_dim3A_225 = vector.shape_cast %argmax3A_224 : vector<256xi32> to vector<256x1xi32>
    %mul3A_226 = arith.constant 2048 : i32
    %mul3A_227 = arith.muli %arg0, %mul3A_226 : i32
    %add3A_228 = vector.broadcast %mul3A_227 : i32 to vector<256x1xi32>
    %add3A_229 = arith.addi %broadcast_in_dim3A_225, %add3A_228 : vector<256x1xi32>
    %swap3A_230 = arith.constant 0 : index
    %swap3A_231 = arith.constant 0 : index
    %swap3A_232 = arith.constant 12 : index
    %swap3A_233 = vector.load %arg6[%swap3A_230, %swap3A_231, %swap3A_232] : memref<1x256x20xi32, #tpu.memory_space<vmem>>, vector<1x256x1xi32>
    %swap3A_234 = vector.shape_cast %swap3A_233 : vector<1x256x1xi32> to vector<256x1xi32>
    %swap3A_235 = vector.shape_cast %add3A_229 : vector<256x1xi32> to vector<1x256x1xi32>
    tpu.vector_store %arg6[%swap3A_230, %swap3A_231, %swap3A_232], %swap3A_235 {strides = array<i32>} : memref<1x256x20xi32, #tpu.memory_space<vmem>>, vector<1x256x1xi32>,
    %eq3A_236 = vector.broadcast %broadcast_in_dim3A_225 : vector<256x1xi32> to vector<256x2048xi32>
    %eq3A_237 = arith.cmpi eq, %iota3A, %eq3A_236 : vector<256x2048xi32>
    %jit3A_238 = arith.constant 0xFF800000 : f32
    %broadcast_in_dim3A_239 = vector.broadcast %jit3A_238 : f32 to vector<256x2048xf32>
    %select_n3A_240 = arith.select %eq3A_237, %broadcast_in_dim3A_239, %select_n3A_223 : vector<256x2048xi1>, vector<256x2048xf32>
    %argmax3A_241 = tpu.reduce_index %select_n3A_240 {axis = 1 : i32, kind = #tpu.reduction_kind<arg_max>} : vector<256x2048xf32> -> vector<256xi32>
    %broadcast_in_dim3A_242 = vector.shape_cast %argmax3A_241 : vector<256xi32> to vector<256x1xi32>
    %mul3A_243 = arith.constant 2048 : i32
    %mul3A_244 = arith.muli %arg0, %mul3A_243 : i32
    %add3A_245 = vector.broadcast %mul3A_244 : i32 to vector<256x1xi32>
    %add3A_246 = arith.addi %broadcast_in_dim3A_242, %add3A_245 : vector<256x1xi32>
    %swap3A_247 = arith.constant 0 : index
    %swap3A_248 = arith.constant 0 : index
    %swap3A_249 = arith.constant 13 : index
    %swap3A_250 = vector.load %arg6[%swap3A_247, %swap3A_248, %swap3A_249] : memref<1x256x20xi32, #tpu.memory_space<vmem>>, vector<1x256x1xi32>
    %swap3A_251 = vector.shape_cast %swap3A_250 : vector<1x256x1xi32> to vector<256x1xi32>
    %swap3A_252 = vector.shape_cast %add3A_246 : vector<256x1xi32> to vector<1x256x1xi32>
    tpu.vector_store %arg6[%swap3A_247, %swap3A_248, %swap3A_249], %swap3A_252 {strides = array<i32>} : memref<1x256x20xi32, #tpu.memory_space<vmem>>, vector<1x256x1xi32>,
    %eq3A_253 = vector.broadcast %broadcast_in_dim3A_242 : vector<256x1xi32> to vector<256x2048xi32>
    %eq3A_254 = arith.cmpi eq, %iota3A, %eq3A_253 : vector<256x2048xi32>
    %jit3A_255 = arith.constant 0xFF800000 : f32
    %broadcast_in_dim3A_256 = vector.broadcast %jit3A_255 : f32 to vector<256x2048xf32>
    %select_n3A_257 = arith.select %eq3A_254, %broadcast_in_dim3A_256, %select_n3A_240 : vector<256x2048xi1>, vector<256x2048xf32>
    %argmax3A_258 = tpu.reduce_index %select_n3A_257 {axis = 1 : i32, kind = #tpu.reduction_kind<arg_max>} : vector<256x2048xf32> -> vector<256xi32>
    %broadcast_in_dim3A_259 = vector.shape_cast %argmax3A_258 : vector<256xi32> to vector<256x1xi32>
    %mul3A_260 = arith.constant 2048 : i32
    %mul3A_261 = arith.muli %arg0, %mul3A_260 : i32
    %add3A_262 = vector.broadcast %mul3A_261 : i32 to vector<256x1xi32>
    %add3A_263 = arith.addi %broadcast_in_dim3A_259, %add3A_262 : vector<256x1xi32>
    %swap3A_264 = arith.constant 0 : index
    %swap3A_265 = arith.constant 0 : index
    %swap3A_266 = arith.constant 14 : index
    %swap3A_267 = vector.load %arg6[%swap3A_264, %swap3A_265, %swap3A_266] : memref<1x256x20xi32, #tpu.memory_space<vmem>>, vector<1x256x1xi32>
    %swap3A_268 = vector.shape_cast %swap3A_267 : vector<1x256x1xi32> to vector<256x1xi32>
    %swap3A_269 = vector.shape_cast %add3A_263 : vector<256x1xi32> to vector<1x256x1xi32>
    tpu.vector_store %arg6[%swap3A_264, %swap3A_265, %swap3A_266], %swap3A_269 {strides = array<i32>} : memref<1x256x20xi32, #tpu.memory_space<vmem>>, vector<1x256x1xi32>,
    %eq3A_270 = vector.broadcast %broadcast_in_dim3A_259 : vector<256x1xi32> to vector<256x2048xi32>
    %eq3A_271 = arith.cmpi eq, %iota3A, %eq3A_270 : vector<256x2048xi32>
    %jit3A_272 = arith.constant 0xFF800000 : f32
    %broadcast_in_dim3A_273 = vector.broadcast %jit3A_272 : f32 to vector<256x2048xf32>
    %select_n3A_274 = arith.select %eq3A_271, %broadcast_in_dim3A_273, %select_n3A_257 : vector<256x2048xi1>, vector<256x2048xf32>
    %argmax3A_275 = tpu.reduce_index %select_n3A_274 {axis = 1 : i32, kind = #tpu.reduction_kind<arg_max>} : vector<256x2048xf32> -> vector<256xi32>
    %broadcast_in_dim3A_276 = vector.shape_cast %argmax3A_275 : vector<256xi32> to vector<256x1xi32>
    %mul3A_277 = arith.constant 2048 : i32
    %mul3A_278 = arith.muli %arg0, %mul3A_277 : i32
    %add3A_279 = vector.broadcast %mul3A_278 : i32 to vector<256x1xi32>
    %add3A_280 = arith.addi %broadcast_in_dim3A_276, %add3A_279 : vector<256x1xi32>
    %swap3A_281 = arith.constant 0 : index
    %swap3A_282 = arith.constant 0 : index
    %swap3A_283 = arith.constant 15 : index
    %swap3A_284 = vector.load %arg6[%swap3A_281, %swap3A_282, %swap3A_283] : memref<1x256x20xi32, #tpu.memory_space<vmem>>, vector<1x256x1xi32>
    %swap3A_285 = vector.shape_cast %swap3A_284 : vector<1x256x1xi32> to vector<256x1xi32>
    %swap3A_286 = vector.shape_cast %add3A_280 : vector<256x1xi32> to vector<1x256x1xi32>
    tpu.vector_store %arg6[%swap3A_281, %swap3A_282, %swap3A_283], %swap3A_286 {strides = array<i32>} : memref<1x256x20xi32, #tpu.memory_space<vmem>>, vector<1x256x1xi32>,
    %eq3A_287 = vector.broadcast %broadcast_in_dim3A_276 : vector<256x1xi32> to vector<256x2048xi32>
    %eq3A_288 = arith.cmpi eq, %iota3A, %eq3A_287 : vector<256x2048xi32>
    %jit3A_289 = arith.constant 0xFF800000 : f32
    %broadcast_in_dim3A_290 = vector.broadcast %jit3A_289 : f32 to vector<256x2048xf32>
    %select_n3A_291 = arith.select %eq3A_288, %broadcast_in_dim3A_290, %select_n3A_274 : vector<256x2048xi1>, vector<256x2048xf32>
    %argmax3A_292 = tpu.reduce_index %select_n3A_291 {axis = 1 : i32, kind = #tpu.reduction_kind<arg_max>} : vector<256x2048xf32> -> vector<256xi32>
    %broadcast_in_dim3A_293 = vector.shape_cast %argmax3A_292 : vector<256xi32> to vector<256x1xi32>
    %mul3A_294 = arith.constant 2048 : i32
    %mul3A_295 = arith.muli %arg0, %mul3A_294 : i32
    %add3A_296 = vector.broadcast %mul3A_295 : i32 to vector<256x1xi32>
    %add3A_297 = arith.addi %broadcast_in_dim3A_293, %add3A_296 : vector<256x1xi32>
    %swap3A_298 = arith.constant 0 : index
    %swap3A_299 = arith.constant 0 : index
    %swap3A_300 = arith.constant 16 : index
    %swap3A_301 = vector.load %arg6[%swap3A_298, %swap3A_299, %swap3A_300] : memref<1x256x20xi32, #tpu.memory_space<vmem>>, vector<1x256x1xi32>
    %swap3A_302 = vector.shape_cast %swap3A_301 : vector<1x256x1xi32> to vector<256x1xi32>
    %swap3A_303 = vector.shape_cast %add3A_297 : vector<256x1xi32> to vector<1x256x1xi32>
    tpu.vector_store %arg6[%swap3A_298, %swap3A_299, %swap3A_300], %swap3A_303 {strides = array<i32>} : memref<1x256x20xi32, #tpu.memory_space<vmem>>, vector<1x256x1xi32>,
    %eq3A_304 = vector.broadcast %broadcast_in_dim3A_293 : vector<256x1xi32> to vector<256x2048xi32>
    %eq3A_305 = arith.cmpi eq, %iota3A, %eq3A_304 : vector<256x2048xi32>
    %jit3A_306 = arith.constant 0xFF800000 : f32
    %broadcast_in_dim3A_307 = vector.broadcast %jit3A_306 : f32 to vector<256x2048xf32>
    %select_n3A_308 = arith.select %eq3A_305, %broadcast_in_dim3A_307, %select_n3A_291 : vector<256x2048xi1>, vector<256x2048xf32>
    %argmax3A_309 = tpu.reduce_index %select_n3A_308 {axis = 1 : i32, kind = #tpu.reduction_kind<arg_max>} : vector<256x2048xf32> -> vector<256xi32>
    %broadcast_in_dim3A_310 = vector.shape_cast %argmax3A_309 : vector<256xi32> to vector<256x1xi32>
    %mul3A_311 = arith.constant 2048 : i32
    %mul3A_312 = arith.muli %arg0, %mul3A_311 : i32
    %add3A_313 = vector.broadcast %mul3A_312 : i32 to vector<256x1xi32>
    %add3A_314 = arith.addi %broadcast_in_dim3A_310, %add3A_313 : vector<256x1xi32>
    %swap3A_315 = arith.constant 0 : index
    %swap3A_316 = arith.constant 0 : index
    %swap3A_317 = arith.constant 17 : index
    %swap3A_318 = vector.load %arg6[%swap3A_315, %swap3A_316, %swap3A_317] : memref<1x256x20xi32, #tpu.memory_space<vmem>>, vector<1x256x1xi32>
    %swap3A_319 = vector.shape_cast %swap3A_318 : vector<1x256x1xi32> to vector<256x1xi32>
    %swap3A_320 = vector.shape_cast %add3A_314 : vector<256x1xi32> to vector<1x256x1xi32>
    tpu.vector_store %arg6[%swap3A_315, %swap3A_316, %swap3A_317], %swap3A_320 {strides = array<i32>} : memref<1x256x20xi32, #tpu.memory_space<vmem>>, vector<1x256x1xi32>,
    %eq3A_321 = vector.broadcast %broadcast_in_dim3A_310 : vector<256x1xi32> to vector<256x2048xi32>
    %eq3A_322 = arith.cmpi eq, %iota3A, %eq3A_321 : vector<256x2048xi32>
    %jit3A_323 = arith.constant 0xFF800000 : f32
    %broadcast_in_dim3A_324 = vector.broadcast %jit3A_323 : f32 to vector<256x2048xf32>
    %select_n3A_325 = arith.select %eq3A_322, %broadcast_in_dim3A_324, %select_n3A_308 : vector<256x2048xi1>, vector<256x2048xf32>
    %argmax3A_326 = tpu.reduce_index %select_n3A_325 {axis = 1 : i32, kind = #tpu.reduction_kind<arg_max>} : vector<256x2048xf32> -> vector<256xi32>
    %broadcast_in_dim3A_327 = vector.shape_cast %argmax3A_326 : vector<256xi32> to vector<256x1xi32>
    %mul3A_328 = arith.constant 2048 : i32
    %mul3A_329 = arith.muli %arg0, %mul3A_328 : i32
    %add3A_330 = vector.broadcast %mul3A_329 : i32 to vector<256x1xi32>
    %add3A_331 = arith.addi %broadcast_in_dim3A_327, %add3A_330 : vector<256x1xi32>
    %swap3A_332 = arith.constant 0 : index
    %swap3A_333 = arith.constant 0 : index
    %swap3A_334 = arith.constant 18 : index
    %swap3A_335 = vector.load %arg6[%swap3A_332, %swap3A_333, %swap3A_334] : memref<1x256x20xi32, #tpu.memory_space<vmem>>, vector<1x256x1xi32>
    %swap3A_336 = vector.shape_cast %swap3A_335 : vector<1x256x1xi32> to vector<256x1xi32>
    %swap3A_337 = vector.shape_cast %add3A_331 : vector<256x1xi32> to vector<1x256x1xi32>
    tpu.vector_store %arg6[%swap3A_332, %swap3A_333, %swap3A_334], %swap3A_337 {strides = array<i32>} : memref<1x256x20xi32, #tpu.memory_space<vmem>>, vector<1x256x1xi32>,
    %eq3A_338 = vector.broadcast %broadcast_in_dim3A_327 : vector<256x1xi32> to vector<256x2048xi32>
    %eq3A_339 = arith.cmpi eq, %iota3A, %eq3A_338 : vector<256x2048xi32>
    %jit3A_340 = arith.constant 0xFF800000 : f32
    %broadcast_in_dim3A_341 = vector.broadcast %jit3A_340 : f32 to vector<256x2048xf32>
    %select_n3A_342 = arith.select %eq3A_339, %broadcast_in_dim3A_341, %select_n3A_325 : vector<256x2048xi1>, vector<256x2048xf32>
    %argmax3A_343 = tpu.reduce_index %select_n3A_342 {axis = 1 : i32, kind = #tpu.reduction_kind<arg_max>} : vector<256x2048xf32> -> vector<256xi32>
    %broadcast_in_dim3A_344 = vector.shape_cast %argmax3A_343 : vector<256xi32> to vector<256x1xi32>
    %mul3A_345 = arith.constant 2048 : i32
    %mul3A_346 = arith.muli %arg0, %mul3A_345 : i32
    %add3A_347 = vector.broadcast %mul3A_346 : i32 to vector<256x1xi32>
    %add3A_348 = arith.addi %broadcast_in_dim3A_344, %add3A_347 : vector<256x1xi32>
    %swap3A_349 = arith.constant 0 : index
    %swap3A_350 = arith.constant 0 : index
    %swap3A_351 = arith.constant 19 : index
    %swap3A_352 = vector.load %arg6[%swap3A_349, %swap3A_350, %swap3A_351] : memref<1x256x20xi32, #tpu.memory_space<vmem>>, vector<1x256x1xi32>
    %swap3A_353 = vector.shape_cast %swap3A_352 : vector<1x256x1xi32> to vector<256x1xi32>
    %swap3A_354 = vector.shape_cast %add3A_348 : vector<256x1xi32> to vector<1x256x1xi32>
    tpu.vector_store %arg6[%swap3A_349, %swap3A_350, %swap3A_351], %swap3A_354 {strides = array<i32>} : memref<1x256x20xi32, #tpu.memory_space<vmem>>, vector<1x256x1xi32>,
    %iota3A_355 = tpu.iota {dimensions = array<i32: 0>} : vector<256x256xi32>
    %iota3A_356 = tpu.iota {dimensions = array<i32: 1>} : vector<256x256xi32>
    %eq3A_357 = arith.cmpi eq, %iota3A_355, %iota3A_356 : vector<256x256xi32>
    %convert_element_type3A = arith.extui %eq3A_357 : vector<256x256xi1> to vector<256x256xi32>
    %convert_element_type3A_358 = arith.sitofp %convert_element_type3A : vector<256x256xi32> to vector<256x256xf32>
    %dot_general3A_359 = arith.constant dense<0.000000e+00> : vector<256x128xf32>
    %dot_general3A_360 = tpu.matmul %convert_element_type3A_358, %get3A_8, %dot_general3A_359 {dimension_numbers = #tpu.dot_dimension_numbers<[1], [1], [0], [0], [0, 0, 1, 0], [], []>, transpose_lhs_hint = false} : vector<256x256xf32>, vector<128x256xf32>, vector<256x128xf32> -> vector<256x128xf32>
    %swap3A_361 = arith.constant 0 : index
    %swap3A_362 = arith.constant 0 : index
    %swap3A_363 = arith.constant 0 : index
    %swap3A_364 = vector.load %arg7[%swap3A_361, %swap3A_362, %swap3A_363] : memref<1x256x128xf32, #tpu.memory_space<vmem>>, vector<1x256x128xf32>
    %swap3A_365 = vector.shape_cast %swap3A_364 : vector<1x256x128xf32> to vector<256x128xf32>
    %swap3A_366 = vector.shape_cast %dot_general3A_360 : vector<256x128xf32> to vector<1x256x128xf32>
    tpu.vector_store %arg7[%swap3A_361, %swap3A_362, %swap3A_363], %swap3A_366 {strides = array<i32>} : memref<1x256x128xf32, #tpu.memory_space<vmem>>, vector<1x256x128xf32>,
    return
  }
  func.func @transform_0(%arg0: i32, %arg1: i32) -> (i32, i32, i32) {
    %c0_i32 = arith.constant 0 : i32
    %c0_i32_0 = arith.constant 0 : i32
    %c0_i32_1 = arith.constant 0 : i32
    return %arg0, %c0_i32, %c0_i32_0 : i32, i32, i32
  }
  func.func @transform_1(%arg0: i32, %arg1: i32) -> (i32, i32, i32) {
    %c0_i32 = arith.constant 0 : i32
    %c0_i32_0 = arith.constant 0 : i32
    return %arg0, %c0_i32, %arg1 : i32, i32, i32
  }
  func.func @transform_2(%arg0: i32, %arg1: i32) -> (i32, i32, i32) {
    %c0_i32 = arith.constant 0 : i32
    %c0_i32_0 = arith.constant 0 : i32
    %c0_i32_1 = arith.constant 0 : i32
    return %arg0, %c0_i32, %c0_i32_0 : i32, i32, i32
  }
  func.func @transform_3(%arg0: i32, %arg1: i32) -> (i32, i32, i32) {
    %c0_i32 = arith.constant 0 : i32
    %c0_i32_0 = arith.constant 0 : i32
    return %arg0, %arg1, %c0_i32 : i32, i32, i32
  }
  func.func @transform_4(%arg0: i32, %arg1: i32) -> (i32, i32, i32) {
    %c0_i32 = arith.constant 0 : i32
    %c0_i32_0 = arith.constant 0 : i32
    return %arg0, %arg1, %c0_i32 : i32, i32, i32
  }
  func.func @transform_5(%arg0: i32, %arg1: i32) -> (i32, i32, i32) {
    %c0_i32 = arith.constant 0 : i32
    %c0_i32_0 = arith.constant 0 : i32
    return %arg0, %arg1, %c0_i32 : i32, i32, i32
  }
}

module attributes {stable_mosaic.version = 14 : i64} {
  func.func @_assemble_body(%arg0: i32, %arg1: i32, %arg2: memref<1x5120x128xf32, #tpu.memory_space<vmem>>, %arg3: memref<1x128x256xf32, #tpu.memory_space<vmem>>, %arg4: memref<1x256x5120xf32, #tpu.memory_space<vmem>>) attributes {dimension_semantics = [#tpu.dimension_semantics<arbitrary>, #tpu.dimension_semantics<arbitrary>], iteration_bounds = array<i64: 4, 8>, scalar_prefetch = 0 : i64, scratch_operands = 0 : i64, tpu.core_type = #tpu.core_type<tc>, window_params = [{transform_indices = @transform_0, window_bounds = array<i64: 1, 5120, 128>}, {transform_indices = @transform_1, window_bounds = array<i64: 1, 128, 256>}, {transform_indices = @transform_2, window_bounds = array<i64: 1, 256, 5120>}]} {
    %get3A = arith.constant 0 : index
    %get3A_0 = arith.constant 0 : index
    %get3A_1 = arith.constant 0 : index
    %get3A_2 = vector.load %arg3[%get3A, %get3A_0, %get3A_1] : memref<1x128x256xf32, #tpu.memory_space<vmem>>, vector<1x128x256xf32>
    %get3A_3 = vector.shape_cast %get3A_2 : vector<1x128x256xf32> to vector<128x256xf32>
    %get3A_4 = arith.constant 0 : index
    %get3A_5 = arith.constant 0 : index
    %get3A_6 = arith.constant 0 : index
    %get3A_7 = vector.load %arg2[%get3A_4, %get3A_5, %get3A_6] : memref<1x5120x128xf32, #tpu.memory_space<vmem>>, vector<1x5120x128xf32>
    %get3A_8 = vector.shape_cast %get3A_7 : vector<1x5120x128xf32> to vector<5120x128xf32>
    %iota3A = tpu.iota {dimensions = array<i32: 0>} : vector<128x128xi32>
    %iota3A_9 = tpu.iota {dimensions = array<i32: 1>} : vector<128x128xi32>
    %eq3A = arith.cmpi eq, %iota3A, %iota3A_9 : vector<128x128xi32>
    %convert_element_type3A = arith.extui %eq3A : vector<128x128xi1> to vector<128x128xi32>
    %convert_element_type3A_10 = arith.sitofp %convert_element_type3A : vector<128x128xi32> to vector<128x128xf32>
    %dot_general3A = arith.constant dense<0.000000e+00> : vector<128x5120xf32>
    %dot_general3A_11 = tpu.matmul %convert_element_type3A_10, %get3A_8, %dot_general3A {dimension_numbers = #tpu.dot_dimension_numbers<[1], [1], [0], [0], [0, 0, 1, 0], [], []>, transpose_lhs_hint = false} : vector<128x128xf32>, vector<5120x128xf32>, vector<128x5120xf32> -> vector<128x5120xf32>
    %iota3A_12 = tpu.iota {dimensions = array<i32: 1>} : vector<256x5120xi32>
    %iota3A_13 = tpu.iota {dimensions = array<i32: 0>} : vector<256x5120xi32>
    %mul3A = arith.constant 20 : i32
    %mul3A_14 = vector.broadcast %mul3A : i32 to vector<256x5120xi32>
    %mul3A_15 = arith.muli %iota3A_13, %mul3A_14 : vector<256x5120xi32>
    %ge3A = arith.cmpi sge, %iota3A_12, %mul3A_15 : vector<256x5120xi32>
    %mul3A_16 = arith.constant 20 : i32
    %mul3A_17 = vector.broadcast %mul3A_16 : i32 to vector<256x5120xi32>
    %mul3A_18 = arith.muli %iota3A_13, %mul3A_17 : vector<256x5120xi32>
    %add3A = arith.constant 20 : i32
    %add3A_19 = vector.broadcast %add3A : i32 to vector<256x5120xi32>
    %add3A_20 = arith.addi %mul3A_18, %add3A_19 : vector<256x5120xi32>
    %lt3A = arith.cmpi slt, %iota3A_12, %add3A_20 : vector<256x5120xi32>
    %and3A = arith.andi %ge3A, %lt3A : vector<256x5120xi1>
    %convert_element_type3A_21 = arith.extui %and3A : vector<256x5120xi1> to vector<256x5120xi32>
    %convert_element_type3A_22 = arith.sitofp %convert_element_type3A_21 : vector<256x5120xi32> to vector<256x5120xf32>
    %dot_general3A_23 = arith.constant dense<0.000000e+00> : vector<128x5120xf32>
    %dot_general3A_24 = tpu.matmul %get3A_3, %convert_element_type3A_22, %dot_general3A_23 {dimension_numbers = #tpu.dot_dimension_numbers<[1], [0], [0], [1], [0, 0, 1, 1], [], []>, transpose_lhs_hint = false} : vector<128x256xf32>, vector<256x5120xf32>, vector<128x5120xf32> -> vector<128x5120xf32>
    %sub3A = arith.subf %dot_general3A_11, %dot_general3A_24 : vector<128x5120xf32>
    %swap3A = arith.constant 0 : index
    %swap3A_25 = arith.constant 0 : index
    %swap3A_26 = arith.constant 0 : index
    %swap3A_27 = vector.load %arg4[%swap3A, %swap3A_25, %swap3A_26] : memref<1x256x5120xf32, #tpu.memory_space<vmem>>, vector<1x128x5120xf32>
    %swap3A_28 = vector.shape_cast %swap3A_27 : vector<1x128x5120xf32> to vector<128x5120xf32>
    %swap3A_29 = vector.shape_cast %sub3A : vector<128x5120xf32> to vector<1x128x5120xf32>
    tpu.vector_store %arg4[%swap3A, %swap3A_25, %swap3A_26], %swap3A_29 {strides = array<i32>} : memref<1x256x5120xf32, #tpu.memory_space<vmem>>, vector<1x128x5120xf32>,
    %swap3A_30 = arith.constant 0 : index
    %swap3A_31 = arith.constant 128 : index
    %swap3A_32 = arith.constant 0 : index
    %swap3A_33 = vector.load %arg4[%swap3A_30, %swap3A_31, %swap3A_32] : memref<1x256x5120xf32, #tpu.memory_space<vmem>>, vector<1x128x5120xf32>
    %swap3A_34 = vector.shape_cast %swap3A_33 : vector<1x128x5120xf32> to vector<128x5120xf32>
    %swap3A_35 = vector.shape_cast %dot_general3A_24 : vector<128x5120xf32> to vector<1x128x5120xf32>
    tpu.vector_store %arg4[%swap3A_30, %swap3A_31, %swap3A_32], %swap3A_35 {strides = array<i32>} : memref<1x256x5120xf32, #tpu.memory_space<vmem>>, vector<1x128x5120xf32>,
    return
  }
  func.func @transform_0(%arg0: i32, %arg1: i32) -> (i32, i32, i32) {
    %c0_i32 = arith.constant 0 : i32
    %c0_i32_0 = arith.constant 0 : i32
    return %arg0, %arg1, %c0_i32 : i32, i32, i32
  }
  func.func @transform_1(%arg0: i32, %arg1: i32) -> (i32, i32, i32) {
    %c0_i32 = arith.constant 0 : i32
    %c0_i32_0 = arith.constant 0 : i32
    return %arg0, %c0_i32, %arg1 : i32, i32, i32
  }
  func.func @transform_2(%arg0: i32, %arg1: i32) -> (i32, i32, i32) {
    %c0_i32 = arith.constant 0 : i32
    %c0_i32_0 = arith.constant 0 : i32
    return %arg0, %c0_i32, %arg1 : i32, i32, i32
  }
}

</mosaic_0001>

<sc_bundles>
// kernel: kernel.5.cloned.1.call-start
scs
__scs_entry_jumppad:
0x0: {  	(pc) =	sbr.rel $0x88, $3  }
0x1: {  	(tag) =	ssettag $0x0;
	lr =	simm.s32 $0x1  }
0x2: {  	[smem:$0x3FA0] =	sst lr;
	_ =	strace $0xD0000000  }
0x3: {  	_ = 	snop  }
0x4: {  	_ = 	snop  }
0x5: {  	_ = 	snop  }
0x6: {  	_ = 	snop  }
0x7: {  	_ = 	snop  }
__scs_overlays_trampoline_lowered:
0x8: {  	[smem:$0x3FAF] =	sst s0  }
0x9: {  	[smem:$0x3FB0] =	sst s1  }
0xa: {  	[smem:$0x3FB1] =	sst s2  }
0xb: {  	[smem:$0x3FB2] =	sst s3  }
0xc: {  	[smem:$0x3FB3] =	sst s4  }
0xd: {  	[smem:$0x3FB4] =	sst s5  }
0xe: {  	[smem:$0x3FB5] =	sst s6  }
0xf: {  	[smem:$0x3FB6] =	sst s7  }
0x10: {  	[smem:$0x3FB7] =	sst s8  }
0x11: {  	[smem:$0x3FB8] =	sst s9;
	s0 =	simm.s32 @!p0 $0x0  }
0x12: {  	s1 =	sld [smem:$0x3F9E];
	s0 =	simm.s32 @p0 $0x1  }
0x13: {  	[smem:$0x3FB9] =	sst s0;
	s0 =	simm.s32 @!p1 $0x0  }
0x14: {  	s2 =	sld [smem:$0x3F9D];
	s0 =	simm.s32 @p1 $0x1  }
0x15: {  	[smem:$0x3FBA] =	sst s0;
	s0 =	simm.s32 @!p2 $0x0  }
0x16: {  	s3 =	sld [smem:$0x3FDB];
	s0 =	simm.s32 @p2 $0x1  }
0x17: {  	s4 =	simm.s32 $0x1BF5;
	[smem:$0x3FBC] =	sst s0  }
0x18: {  	s0 =	sld [smem:$0x3F9F];
	_ =	swait.ge [sflag:s4], $0x0  }
0x19: {  	s7 =	sld [smem:$0x3FA0]  }
0x1a: {  	s8 =	sadd.s32 $0xFFFFE003, lr  }
0x1b: {  	s9 =	sadd.s32 $0xFFFFFEF7, lr;
	s5 =	simm.s32 $0xFFFFFFFF;
	p2 =	slt.u32 s8, $0xFFFFF086  }
0x1c: {  	p1 =	slt.u32 s9, $0xF7A;
	s5 =	simm.s32 @!p2 $0x0  }
0x1d: {  	s5 =	simm.s32 @p1 $0x1;
	p0 =	seq.s32 s7, s2  }
0x1e: {  	s7 =	smul.u32 @!p0 $0xF7A, s2;
	p2 =	seq.s32 @!p0 s5, $0x0  }
0x1f: {  	s9 =	smul.u32 $0xF7A, s1;
	s8 =	simm.s32 @!p0 $0x1BF5;
	p2 =	por !p2, p0  }
0x20: {  	[sflag:s8] =	ssyncset.s32 @!p0 $0xFFFFF086;
	s6 =	sadd.s32 @!p0 s3, s7;
	s7 =	simm.s32 @!p0 $0x108  }
0x21: {  	s3 =	sadd.s32 s3, s9;
	s6 =	sadd.s32 @!p0 $0x88, s6;
	s7 =	simm.s32 @p2 $0x1082  }
0x22: {  	[simem:s7], [sflag:s8] =	dma.local @!p0 [hbm:s6], $0xF7A  }
0x23: {  	s9 =	sor.u32 $0xD0000000, s2;
	s6 =	simm.s32 $0x108;
	_ =	swait.ge @!p0 [sflag:s8], $0x0  }
0x24: {  	s3 =	sadd.s32 $0x88, s3;
	s6 =	simm.s32 @!p1 $0x1082;
	[sflag:s4] =	ssyncset.s32 $0xFFFFF086  }
0x25: {  	[simem:s6], [sflag:s4] =	dma.local [hbm:s3], $0xF7A  }
0x26: {  	[smem:$0x3FA0] =	sst s1;
	(tag) =	ssettag s2;
	_ =	strace s9  }
0x27: {  	s1 =	sld [smem:$0x3FB0]  }
0x28: {  	s2 =	sld [smem:$0x3FB1]  }
0x29: {  	s4 =	sld [smem:$0x3FB3]  }
0x2a: {  	p0 =	seq.s32 s5, $0x0;
	s5 =	sld [smem:$0x3FB4]  }
0x2b: {  	s6 =	sld [smem:$0x3FB5]  }
0x2c: {  	s7 =	sld [smem:$0x3FB6]  }
0x2d: {  	s3 =	simm.s32 $0x108;
	s8 =	sld [smem:$0x3FB7]  }
0x2e: {  	s3 =	simm.s32 @!p0 $0x1082;
	s9 =	sld [smem:$0x3FB8]  }
0x2f: {  	lr =	sadd.s32 s0, s3;
	s0 =	sld [smem:$0x3FAF]  }
0x30: {  	s3 =	sld [smem:$0x3FB2]  }
0x31: {  	[smem:$0x3FBB] =	sst s10  }
0x32: {  	s10 =	sld [smem:$0x3FB9];
	_ =	sdelay $0x3  }
0x33: {  	p0 =	seq.s32 s10, $0x1;
	s10 =	sld [smem:$0x3FBB];
	_ =	sdelay $0x3  }
0x34: {  	[smem:$0x3FBB] =	sst s10  }
0x35: {  	s10 =	sld [smem:$0x3FBA];
	_ =	sdelay $0x3  }
0x36: {  	p1 =	seq.s32 s10, $0x1;
	s10 =	sld [smem:$0x3FBB];
	_ =	sdelay $0x3  }
0x37: {  	[smem:$0x3FBB] =	sst s10  }
0x38: {  	s10 =	sld [smem:$0x3FBC]  }
0x39: {  	_ = 	snop;
	(pc) =	sbr.ind lr, $3  }
0x3a: {  	_ = 	snop  }
0x3b: {  	_ = 	snop  }
0x3c: {  	p2 =	seq.s32 s10, $0x1;
	s10 =	sld [smem:$0x3FBB]  }
0x3d: {  	_ =	shalt  }
0x3e: {  	_ =	shalt  }
0x3f: {  	_ =	shalt  }
0x40: {  	_ =	shalt  }
0x41: {  	_ =	shalt  }
0x42: {  	_ =	shalt  }
0x43: {  	_ =	shalt  }
0x44: {  	_ =	shalt  }
0x45: {  	_ =	shalt  }
0x46: {  	_ =	shalt  }
0x47: {  	_ =	shalt  }
0x48: {  	_ =	shalt  }
0x49: {  	_ =	shalt  }
0x4a: {  	_ =	shalt  }
0x4b: {  	_ =	shalt  }
0x4c: {  	_ =	shalt  }
0x4d: {  	_ =	shalt  }
0x4e: {  	_ =	shalt  }
0x4f: {  	_ =	shalt  }
0x50: {  	_ =	shalt  }
0x51: {  	_ =	shalt  }
0x52: {  	_ =	shalt  }
0x53: {  	_ =	shalt  }
0x54: {  	_ =	shalt  }
0x55: {  	_ =	shalt  }
0x56: {  	_ =	shalt  }
0x57: {  	_ =	shalt  }
0x58: {  	_ =	shalt  }
0x59: {  	_ =	shalt  }
0x5a: {  	_ =	shalt  }
0x5b: {  	_ =	shalt  }
0x5c: {  	_ =	shalt  }
0x5d: {  	_ =	shalt  }
0x5e: {  	_ =	shalt  }
0x5f: {  	_ =	shalt  }
0x60: {  	_ =	shalt  }
0x61: {  	_ =	shalt  }
0x62: {  	_ =	shalt  }
0x63: {  	_ =	shalt  }
0x64: {  	_ =	shalt  }
0x65: {  	_ =	shalt  }
0x66: {  	_ =	shalt  }
0x67: {  	_ =	shalt  }
0x68: {  	_ =	shalt  }
0x69: {  	_ =	shalt  }
0x6a: {  	_ =	shalt  }
0x6b: {  	_ =	shalt  }
0x6c: {  	_ =	shalt  }
0x6d: {  	_ =	shalt  }
0x6e: {  	_ =	shalt  }
0x6f: {  	_ =	shalt  }
0x70: {  	_ =	shalt  }
0x71: {  	_ =	shalt  }
0x72: {  	_ =	shalt  }
0x73: {  	_ =	shalt  }
0x74: {  	_ =	shalt  }
0x75: {  	_ =	shalt  }
0x76: {  	_ =	shalt  }
0x77: {  	_ =	shalt  }
0x78: {  	_ =	shalt  }
0x79: {  	_ =	shalt  }
0x7a: {  	_ =	shalt  }
0x7b: {  	_ =	shalt  }
0x7c: {  	_ =	shalt  }
0x7d: {  	_ =	shalt  }
0x7e: {  	_ =	shalt  }
0x7f: {  	_ =	shalt  }
0x80: {  	_ =	shalt  }
0x81: {  	_ =	shalt  }
0x82: {  	_ =	shalt  }
0x83: {  	_ =	shalt  }
0x84: {  	_ =	shalt  }
0x85: {  	_ =	shalt  }
0x86: {  	_ =	shalt  }
0x87: {  	_ =	shalt  }
.Lfunc_end0:
.L_simem_size_0:
called_computation.1_lowered:
.L_overlay_start_0:
0x88: {  	s2 =	sld [smem:$0x3FD9]  }
0x89: {  	s3 =	sld [smem:$0x3FFE];
	_ =	sdelay $0x1  }
0x8a: {  	s1 =	srdreg.scid  }
0x8b: {  	s0 =	sand.u32 $0x1, s1  }
0x8c: {  	s17 =	sshll.u32 s0, $0xA;
	s2 =	sadd.s32 s3, s2  }
0x8d: {  	s2 =	sadd.s32 s2, s17  }
0x8e: {  	[smem:$0x3FC7] =	sst s2  }
0x8f: {  	_ = 	snop  }
0x90: {  	s2 =	sld [smem:$0x3FD0];
	(tm) =	ssettm $0x1  }
0x91: {  	s18 =	sld [smem:$0x3FFB];
	_ =	sdelay $0x3  }
0x92: {  	_ =	strace s18  }
0x93: {  	s3 =	sld [smem:$0x3FFC];
	_ =	sdelay $0x3  }
0x94: {  	_ =	strace s3  }
0x95: {  	s3 =	sld [smem:$0x3FFD];
	_ =	sdelay $0x3  }
0x96: {  	_ =	strace s3  }
0x97: {  	_ =	strace $0x8FFFFFFF  }
0x98: {  	s19 =	sld [smem:$0x3FDB];
	_ =	sdelay $0x1  }
0x99: {  	s4 =	simm.s32 $_scs_section_size  }
0x9a: {  	s5 =	simm.s32 $_size__tile_overlayer_lowered;
	s6 =	simm.s32 $_tile_overlayer_lowered  }
0x9b: {  	s22 =	simm.s32 $0x1BFF;
	s21 =	sshll.u32 s6, $0x1;
	s3 =	sadd.s32 s4, s19  }
0x9c: {  	s7 =	simm.s32 $0x0;
	s20 =	sshll.u32 s5, $0x1;
	s5 =	sadd.s32 s21, s3  }
0x9d: {  	[timem:s7], [sflag:s22] =	dma.local [hbm:s5], s20  }
0x9e: {  	_ =	swait.ge [sflag:s22], s20  }
0x9f: {  	s4 =	ssub.s32 $0x0, s20;
	[sflag:s22] =	ssyncset.done $0x0  }
0xa0: {  	[sflag:s22] =	ssyncadd.s32 s4;
	_ =	sdelay $0x1  }
0xa1: {  	s23 =	simm.s32 $0x1B8B  }
0xa2: {  	_ =	swait.ge [sflag:s23], $0x1  }
0xa3: {  	[sflag:s23] =	ssyncset.done $0x0  }
0xa4: {  	s25 =	simm.s32 $0x1B8E;
	s24 =	sld [smem:$0x3FFE];
	[sflag:s23] =	ssyncadd.s32 $0xFFFFFFFF  }
0xa5: {  	s26 =	simm.s32 $execute0_lowered;
	[smem:$0x3FD2] =	sst s25  }
0xa6: {  	s5 =	sshll.u32 s26, $0x1;
	_ =	strace $0x80000046;
	[dreg:$0x1] =	wrdreg $0xFFFFFFFF  }
0xa7: {  	s28 =	simm.s32 $_size_execute0_lowered;
	s3 =	sadd.s32 s3, s5;
	[dreg:$0x0] =	wrdreg $0x0  }
0xa8: {  	s5 =	sshll.u32 s28, $0x1;
	[dreg:$0x2] =	wrdreg s3  }
0xa9: {  	[dreg:$0x3] =	wrdreg s5  }
0xaa: {  	[dreg:$0x4] =	wrdreg $0xC0  }
0xab: {  	_ =	task [dreg:s7], $0x5FFFF  }
0xac: {  	[dreg:$0x1] =	wrdreg $0xFFFFFFFF  }
0xad: {  	[dreg:$0x0] =	wrdreg $0x60  }
0xae: {  	[dreg:$0x2] =	wrdreg s2  }
0xaf: {  	[dreg:$0x3] =	wrdreg s24  }
0xb0: {  	[dreg:$0x4] =	wrdreg $0x9  }
0xb1: {  	_ =	task.clear_ibuf [dreg:s7], $0x5FFFF;
	_ =	strace $0x90000046  }
0xb2: {  	s29 =	simm.s32 $0x9;
	_ =	strace $0x80000048  }
0xb3: {  	_ =	swait.ge [sflag:s29], $0x1  }
0xb4: {  	[sflag:s29] =	ssyncadd.s32 $0xFFFFFFFF  }
0xb5: {  	_ =	strace $0x90000048  }
0xb6: {  	_ =	sfence  }
0xb7: {  	s30 =	sld [smem:$0x0];
	_ =	sdelay $0x2  }
0xb8: {  	s31 =	sshll.u32 s1, $0xD;
	s1 =	sshrl.u32 s1, $0x2  }
0xb9: {  	s3 =	sand.u32 $0x4000, s31;
	s1 =	sadd.s32 s1, s30  }
0xba: {  	s0 =	sor.u32 s3, s0;
	s1 =	sshll.u32 s1, $0x11  }
0xbb: {  	s0 =	sor.u32 s1, s0  }
0xbc: {  	s0 =	sadd.s32 $0x8F2B, s0  }
0xbd: {  	[sflag:s0] =	ssyncadd.remote.s32 $0x1  }
0xbe: {  	_ =	sfence.sel $0xFFFF  }
0xbf: {  	[dreg:$0x0] =	wrdreg $0xFFFFFFFF;
	(pc) =	sbr.abs _section_cstart, $3  }
0xc0: {  	[dreg:$0x1] =	wrdreg $0xFFFFFFFF  }
0xc1: {  	_ =	task.clear_ibuf [dreg:s7], $0x2FFFF;
	_ =	strace $0x9FFFFFFF  }
0xc2: {  	(tm) =	ssettm $0x7FFFFFFF  }
0xc3: {  	_ =	shalt  }
tec
execute0_lowered:
.L_overlay_start_1:
0x0: {  	(tag) =	ssettag $0x1  }
0x1: {  	s1 =	srdreg.scid  }
0x2: {  	s0 =	stileid.u32;
	s2 =	rddreg [dreg:$0x0]  }
0x3: {  	s5 =	rddreg [dreg:$0x1];
	s3 =	simm.s32 $0x0;
	s10 =	simm.s32 $0x5400  }
0x4: {  	s11 =	simm.s32 $0x9400;
	s12 =	simm.s32 $0xD400;
	s13 =	simm.s32 $0x1  }
0x5: {  	s14 =	simm.s32 $0x2;
	s15 =	simm.s32 $0x0;
	s4 =	sand.u32 $0x1, s1  }
0x6: {  	s30 =	sshll.u32 s0, $0x1;
	s1 =	rddreg [dreg:$0x2];
	s7 =	smul.u32 $0x28000, s0  }
0x7: {  	s6 =	sor.u32 s4, s30;
	s8 =	ssub.s32 $0x2, s4;
	s4 =	smul.u32 $0x14000, s4  }
0x8: {  	[smem:$0x7FF] =	sst s3;
	s6 =	smul.u32 $0x1400, s6;
	s9 =	sshrl.u32 s8, $0x1  }
0x9: {  	_ =	strace $0x80000047;
	s7 =	sadd.s32 s7, s5;
	s31 =	ssub.s32 s8, s9  }
0xa: {  	s7 =	sadd.s32 s4, s7;
	s8 =	simm.s32 $0x80;
	s6 =	sshrl.u32 s6, $0x3  }
0xb: {  	s9 =	simm.s32 $0x1400;
	s5 =	sadd.s32 s6, s5;
	s6 =	sadd.s32 $0x5A00, s7  }
0xc: {  	s7 =	simm.s32 $0x3;
	s4 =	sadd.s32 $0xA00, s5;
	s5 =	smax.u32 s31, $0x1  }
.LBB2_1:
0xd: {  	[tilespmem:s3], [sflag:$0x3] =	stream.linear.gather [hbm4b:s4+s3], $0x1400, $0x38;
	[tilespmem:$0x11400] =	vst v63  }
0xe: {  	_ =	swait.ge [sflag:s7], $0x1400  }
0xf: {  	[sflag:s7] =	ssyncset.done $0x0  }
0x10: {  	s16 =	simm.s32 $0x0;
	[sflag:s7] =	ssyncadd.s32 $0xFFFFEC00  }
0x11: {  	[tilespmem:s9], [sflag:$0x1] =	stream.indirect.gather [hbm4b:s2+s8], $0x80, s16, s8, $0xb8;
	[tilespmem:$0x11400] =	vst v63  }
0x12: {  	s28 =	simm.s32 $0x80  }
0x13: {  	[tilespmem:s10], [sflag:$0x1] =	stream.indirect.gather [hbm4b:s2+s8], $0x80, s28, s8, $0xb8;
	[tilespmem:$0x11400] =	vst v63  }
0x14: {  	s29 =	simm.s32 $0x100  }
0x15: {  	[tilespmem:s11], [sflag:$0x1] =	stream.indirect.gather [hbm4b:s2+s8], $0x80, s29, s8, $0xb8;
	[tilespmem:$0x11400] =	vst v63  }
0x16: {  	s30 =	simm.s32 $0x180  }
0x17: {  	[tilespmem:s12], [sflag:$0x1] =	stream.indirect.gather [hbm4b:s2+s8], $0x80, s30, s8, $0xb8;
	[tilespmem:$0x11400] =	vst v63  }
0x18: {  	_ =	swait.ge [sflag:s13], $0x4000  }
0x19: {  	[sflag:s13] =	ssyncset.done $0x0  }
0x1a: {  	[sflag:s13] =	ssyncadd.s32 $0xFFFFC000  }
0x1b: {  	_ =	swait.ge [sflag:s13], $0x4000  }
0x1c: {  	[sflag:s13] =	ssyncset.done $0x0  }
0x1d: {  	[sflag:s13] =	ssyncadd.s32 $0xFFFFC000  }
0x1e: {  	_ =	swait.ge [sflag:s13], $0x4000  }
0x1f: {  	[sflag:s13] =	ssyncset.done $0x0  }
0x20: {  	[sflag:s13] =	ssyncadd.s32 $0xFFFFC000  }
0x21: {  	_ =	swait.ge [sflag:s13], $0x4000  }
0x22: {  	[sflag:s13] =	ssyncset.done $0x0  }
0x23: {  	s31 =	sadd.s32 $0x0, s6;
	[sflag:s13] =	ssyncadd.s32 $0xFFFFC000  }
0x24: {  	[hbm4b:s31+s3] =	stream.linear.scatter [tilespmem:s9], [sflag:$0x2], $0x10000, $0x38;
	[tilespmem:$0x11400] =	vst v63  }
0x25: {  	s18 =	simm.s32 $0x4000;
	_ =	swait.ge [sflag:s14], $0x10000  }
0x26: {  	s17 =	simm.s32 $0x380;
	s16 =	simm.s32 $0x2000;
	[sflag:s14] =	ssyncset.done $0x0  }
.LBB2_2:
0x27: {  	p0 =	sne.s32 s18, $0x12000;
	s19 =	sadd.s32 $0xFFFFFE80, s17;
	[sflag:s14] =	ssyncadd.s32 $0xFFFF0000  }
0x28: {  	[tilespmem:s9], [sflag:$0x1] =	stream.indirect.gather [hbm4b:s2+s8], $0x80, s19, s8, $0xb8;
	[tilespmem:$0x11400] =	vst v63  }
0x29: {  	s20 =	smov.u32 s18;
	s18 =	sadd.s32 $0x2000, s18;
	s19 =	sadd.s32 $0xFFFFFF00, s17  }
0x2a: {  	[tilespmem:s10], [sflag:$0x1] =	stream.indirect.gather [hbm4b:s2+s8], $0x80, s19, s8, $0xb8;
	[tilespmem:$0x11400] =	vst v63  }
0x2b: {  	s19 =	sadd.s32 $0xFFFFFF80, s17  }
0x2c: {  	[tilespmem:s11], [sflag:$0x1] =	stream.indirect.gather [hbm4b:s2+s8], $0x80, s19, s8, $0xb8;
	[tilespmem:$0x11400] =	vst v63  }
0x2d: {  	_ = 	snop  }
0x2e: {  	[tilespmem:s12], [sflag:$0x1] =	stream.indirect.gather [hbm4b:s2+s8], $0x80, s17, s8, $0xb8;
	[tilespmem:$0x11400] =	vst v63  }
0x2f: {  	_ =	swait.ge [sflag:s13], $0x4000  }
0x30: {  	[sflag:s13] =	ssyncset.done $0x0  }
0x31: {  	[sflag:s13] =	ssyncadd.s32 $0xFFFFC000  }
0x32: {  	_ =	swait.ge [sflag:s13], $0x4000  }
0x33: {  	[sflag:s13] =	ssyncset.done $0x0  }
0x34: {  	[sflag:s13] =	ssyncadd.s32 $0xFFFFC000  }
0x35: {  	_ =	swait.ge [sflag:s13], $0x4000  }
0x36: {  	[sflag:s13] =	ssyncset.done $0x0  }
0x37: {  	[sflag:s13] =	ssyncadd.s32 $0xFFFFC000  }
0x38: {  	_ =	swait.ge [sflag:s13], $0x4000  }
.Ltmp0:
0x39: {  	[sflag:s13] =	ssyncset.done $0x0;
	(pc) =	sbr.rel @p0 .LBB2_2-.Ltmp0, $4  }
0x3a: {  	s19 =	sadd.s32 s16, s6;
	s16 =	smov.u32 s20;
	[sflag:s13] =	ssyncadd.s32 $0xFFFFC000  }
0x3b: {  	[hbm4b:s19+s3] =	stream.linear.scatter [tilespmem:s9], [sflag:$0x2], $0x10000, $0x38;
	[tilespmem:$0x11400] =	vst v63  }
0x3c: {  	_ =	swait.ge [sflag:s14], $0x10000  }
0x3d: {  	s17 =	sadd.s32 $0x200, s17;
	[sflag:s14] =	ssyncset.done $0x0  }
0x3e: {  	s18 =	sadd.s32 $0xFFFFFE80, s17;
	[sflag:s14] =	ssyncadd.s32 $0xFFFF0000  }
0x3f: {  	[tilespmem:s9], [sflag:$0x1] =	stream.indirect.gather [hbm4b:s2+s8], $0x80, s18, s8, $0xb8;
	[tilespmem:$0x11400] =	vst v63  }
0x40: {  	s30 =	sadd.s32 $0xFFFFFF00, s17  }
0x41: {  	[tilespmem:s10], [sflag:$0x1] =	stream.indirect.gather [hbm4b:s2+s8], $0x80, s30, s8, $0xb8;
	[tilespmem:$0x11400] =	vst v63  }
0x42: {  	s31 =	sadd.s32 $0xFFFFFF80, s17  }
0x43: {  	[tilespmem:s11], [sflag:$0x1] =	stream.indirect.gather [hbm4b:s2+s8], $0x80, s31, s8, $0xb8;
	[tilespmem:$0x11400] =	vst v63  }
0x44: {  	_ = 	snop  }
0x45: {  	[tilespmem:s12], [sflag:$0x1] =	stream.indirect.gather [hbm4b:s2+s8], $0x80, s17, s8, $0xb8;
	[tilespmem:$0x11400] =	vst v63  }
0x46: {  	_ =	swait.ge [sflag:s13], $0x4000  }
0x47: {  	[sflag:s13] =	ssyncset.done $0x0  }
0x48: {  	[sflag:s13] =	ssyncadd.s32 $0xFFFFC000  }
0x49: {  	_ =	swait.ge [sflag:s13], $0x4000  }
0x4a: {  	[sflag:s13] =	ssyncset.done $0x0  }
0x4b: {  	[sflag:s13] =	ssyncadd.s32 $0xFFFFC000  }
0x4c: {  	_ =	swait.ge [sflag:s13], $0x4000  }
0x4d: {  	[sflag:s13] =	ssyncset.done $0x0  }
0x4e: {  	[sflag:s13] =	ssyncadd.s32 $0xFFFFC000  }
0x4f: {  	s15 =	sadd.s32 $0x1, s15;
	_ =	swait.ge [sflag:s13], $0x4000  }
0x50: {  	p0 =	sne.s32 s15, s5;
	[sflag:s13] =	ssyncset.done $0x0  }
.Ltmp1:
0x51: {  	s16 =	sadd.s32 s16, s6;
	[sflag:s13] =	ssyncadd.s32 $0xFFFFC000;
	(pc) =	sbr.rel @p0 .LBB2_1-.Ltmp1, $4  }
0x52: {  	[hbm4b:s16+s3] =	stream.linear.scatter [tilespmem:s9], [sflag:$0x2], $0x10000, $0x38;
	[tilespmem:$0x11400] =	vst v63  }
0x53: {  	_ =	swait.ge [sflag:s14], $0x10000  }
0x54: {  	[sflag:s14] =	ssyncset.done $0x0  }
0x55: {  	[sflag:s14] =	ssyncadd.s32 $0xFFFF0000  }
0x56: {  	_ =	sfence.sel $0x180000  }
0x57: {  	[bflag:$0x0] =	sbarrier.arrive $0xFFFF  }
0x58: {  	p0 =	sne.s32 s0, $0x0;
	_ =	strace $0x90000047  }
0x59: {  	s0 =	sadd.s32 @!p0 $0x100000, s1;
	[bflag:$0x2] =	sbarrier.arrive $0xFFFF  }
0x5a: {  	[sflag:s0] =	ssyncadd.tile.s32 @!p0 $0x1;
	_ =	shalt  }
.Lfunc_end2:
_tile_overlayer_lowered:
.L_overlay_start_2:
0x5b: {  	(tag) =	ssettag $0x2  }
0x5c: {  	s0 =	rddreg [dreg:$0x0];
	s2 =	stileid.u32  }
0x5d: {  	s1 =	rddreg [dreg:$0x1];
	p0 =	sne.s32 s2, $0x0  }
0x5e: {  	s3 =	rddreg [dreg:$0x2];
	[bflag:$0x3] =	sbarrier.arrive $0xFFFF;
	s2 =	simm.s32 @!p0 $0x1C03  }
0x5f: {  	[timem:s3], [sflag:s2] =	dma.local @!p0 [hbm:s0], s1  }
0x60: {  	s0 =	simm.s32 @!p0 $0x3  }
0x61: {  	_ =	swait.ge @!p0 [sflag:s0], s1  }
0x62: {  	s1 =	ssub.s32 @!p0 $0x0, s1;
	[sflag:s0] =	ssyncset.done @!p0 $0x0  }
0x63: {  	[sflag:s0] =	ssyncadd.s32 @!p0 s1  }
0x64: {  	[bflag:$0x3] =	sbarrier.arrive $0xFFFF  }
0x65: {  	_ =	shalt  }

// kernel: sparse-core-data-format-call.cloned.1.call-start
scs
called_computation_lowered:
.L_overlay_start_0:
0x0: {  	s2 =	sld [smem:$0x3FD9]  }
0x1: {  	s3 =	sld [smem:$0x3FFE];
	_ =	sdelay $0x1  }
0x2: {  	s1 =	srdreg.scid  }
0x3: {  	s0 =	sand.u32 $0x1, s1  }
0x4: {  	s18 =	sshll.u32 s0, $0xA;
	s2 =	sadd.s32 s3, s2  }
0x5: {  	s2 =	sadd.s32 s2, s18  }
0x6: {  	[smem:$0x3FC7] =	sst s2  }
0x7: {  	_ = 	snop  }
0x8: {  	s2 =	sld [smem:$0x3FD0];
	(tm) =	ssettm $0x1  }
0x9: {  	s19 =	sld [smem:$0x3FFB];
	_ =	sdelay $0x3  }
0xa: {  	_ =	strace s19  }
0xb: {  	s3 =	sld [smem:$0x3FFC];
	_ =	sdelay $0x3  }
0xc: {  	_ =	strace s3  }
0xd: {  	s3 =	sld [smem:$0x3FFD];
	_ =	sdelay $0x3  }
0xe: {  	_ =	strace s3  }
0xf: {  	_ =	strace $0x8FFFFFFF  }
0x10: {  	s20 =	sld [smem:$0x3FDB];
	_ =	sdelay $0x1  }
0x11: {  	s4 =	simm.s32 $_scs_section_size  }
0x12: {  	s5 =	simm.s32 $_size__tile_overlayer_lowered;
	s6 =	simm.s32 $_tile_overlayer_lowered  }
0x13: {  	s23 =	simm.s32 $0x1BFF;
	s22 =	sshll.u32 s6, $0x1;
	s3 =	sadd.s32 s4, s20  }
0x14: {  	s7 =	simm.s32 $0x0;
	s21 =	sshll.u32 s5, $0x1;
	s5 =	sadd.s32 s22, s3  }
0x15: {  	[timem:s7], [sflag:s23] =	dma.local [hbm:s5], s21  }
0x16: {  	_ =	swait.ge [sflag:s23], s21  }
0x17: {  	s4 =	ssub.s32 $0x0, s21;
	[sflag:s23] =	ssyncset.done $0x0  }
0x18: {  	[sflag:s23] =	ssyncadd.s32 s4;
	_ =	sdelay $0x1  }
0x19: {  	s24 =	simm.s32 $0x1B8B  }
0x1a: {  	_ =	swait.ge [sflag:s24], $0x1  }
0x1b: {  	[sflag:s24] =	ssyncset.done $0x0  }
0x1c: {  	s26 =	simm.s32 $0x1B8E;
	s25 =	sld [smem:$0x3FFE];
	[sflag:s24] =	ssyncadd.s32 $0xFFFFFFFF  }
0x1d: {  	s27 =	simm.s32 $execute0_lowered;
	[smem:$0x3FD2] =	sst s26  }
0x1e: {  	s5 =	sshll.u32 s27, $0x1;
	_ =	strace $0x80000049;
	[dreg:$0x1] =	wrdreg $0xFFFFFFFF  }
0x1f: {  	s28 =	simm.s32 $_size_execute0_lowered;
	s3 =	sadd.s32 s3, s5;
	[dreg:$0x0] =	wrdreg $0x0  }
0x20: {  	s5 =	sshll.u32 s28, $0x1;
	[dreg:$0x2] =	wrdreg s3  }
0x21: {  	[dreg:$0x3] =	wrdreg s5  }
0x22: {  	[dreg:$0x4] =	wrdreg $0xC0  }
0x23: {  	_ =	task [dreg:s7], $0x5FFFF  }
0x24: {  	[dreg:$0x1] =	wrdreg $0xFFFFFFFF  }
0x25: {  	[dreg:$0x0] =	wrdreg $0x60  }
0x26: {  	[dreg:$0x2] =	wrdreg s25  }
0x27: {  	[dreg:$0x3] =	wrdreg s2  }
0x28: {  	[dreg:$0x4] =	wrdreg $0x9  }
0x29: {  	_ =	task.clear_ibuf [dreg:s7], $0x5FFFF;
	_ =	strace $0x90000049  }
0x2a: {  	s29 =	simm.s32 $0x9;
	_ =	strace $0x8000004B  }
0x2b: {  	_ =	swait.ge [sflag:s29], $0x1  }
0x2c: {  	[sflag:s29] =	ssyncadd.s32 $0xFFFFFFFF  }
0x2d: {  	_ =	strace $0x9000004B  }
0x2e: {  	_ =	sfence  }
0x2f: {  	s30 =	sld [smem:$0x0];
	_ =	sdelay $0x2  }
0x30: {  	s31 =	sshll.u32 s1, $0xD;
	s1 =	sshrl.u32 s1, $0x2  }
0x31: {  	s3 =	sand.u32 $0x4000, s31;
	s1 =	sadd.s32 s1, s30  }
0x32: {  	s0 =	sor.u32 s3, s0;
	s1 =	sshll.u32 s1, $0x11  }
0x33: {  	s0 =	sor.u32 s1, s0  }
0x34: {  	s0 =	sadd.s32 $0x8F2B, s0  }
0x35: {  	[sflag:s0] =	ssyncadd.remote.s32 $0x1  }
0x36: {  	_ =	sfence.sel $0xFFFF  }
0x37: {  	[dreg:$0x0] =	wrdreg $0xFFFFFFFF;
	(pc) =	sbr.abs _section_cstart, $3  }
0x38: {  	[dreg:$0x1] =	wrdreg $0xFFFFFFFF  }
0x39: {  	_ =	task.clear_ibuf [dreg:s7], $0x2FFFF;
	_ =	strace $0x9FFFFFFF  }
0x3a: {  	(tm) =	ssettm $0x7FFFFFFF  }
0x3b: {  	_ =	shalt  }
tec
execute0_lowered:
.L_overlay_start_1:
0x0: {  	(tag) =	ssettag $0x1  }
0x1: {  	s0 =	stileid.u32;
	s2 =	srdreg.scid  }
0x2: {  	s7 =	rddreg [dreg:$0x0];
	s8 =	simm.s32 $0x2;
	s1 =	sshll.u32 s0, $0x7  }
0x3: {  	s18 =	simm.s32 $0x0;
	s9 =	simm.s32 $0x4000;
	s3 =	ssub.s32 $0x800, s1  }
0x4: {  	s16 =	simm.s32 $0x0;
	s2 =	sand.u32 $0x1, s2;
	s4 =	sand.u32 $0x780, s3  }
0x5: {  	s5 =	ssub.s32 $0x4, s2;
	p0 =	sne.s32 s4, $0x0;
	s4 =	simm.s32 $0x1  }
0x6: {  	s3 =	sshrl.u32 s3, $0xB;
	s6 =	sshrl.u32 s5, $0x1;
	s4 =	simm.s32 @!p0 $0x0  }
0x7: {  	s17 =	simm.s32 $0x0;
	s5 =	ssub.s32 s5, s6;
	s3 =	sadd.s32 s4, s3  }
0x8: {  	s15 =	simm.s32 $0x0;
	s10 =	simm.s32 $0x0;
	s6 =	smul.u32 s3, s5  }
.Ltmp0:
0x9: {  	s12 =	simm.s32 $0x0;
	s4 =	rddreg [dreg:$0x1];
	(pc) =	sbr.rel .LBB1_1-.Ltmp0, $4  }
0xa: {  	s14 =	simm.s32 $0x0;
	s7 =	sadd.s32 $0xA00, s7;
	s3 =	rddreg [dreg:$0x2]  }
0xb: {  	_ =	strace $0x8000004A;
	s5 =	simm.s32 $0x1;
	s6 =	smul.u32 $0x28, s6  }
0xc: {  	s11 =	smov.u32 s2;
	s13 =	smov.u32 s1;
	[sflag:s5] =	ssyncpa.u1 $0x0  }
0xd: {  	p0 =	por $0x0, $0x0;
	[sflag:s8] =	ssyncpa.u1 $0x0;
	s8 =	sor.u32 $0x1, s6  }
.LBB1_4:
0xe: {  	v5 =	vld [tilespmem:s21+$0xFFFFFFD0];
	[tilespmem:s22+$0x2040 ss:$0x81] =	vst.msk $0xffff, v2  }
0xf: {  	v58 =	vld [tilespmem:s21+$0xFFFFFFE0];
	[tilespmem:s22+$0x2850 ss:$0x81] =	vst.msk $0xffff, v3  }
0x10: {  	s23 =	sshra.s32 s23, $0x2;
	v59 =	vld [tilespmem:s21+$0xFFFFFFF0];
	[tilespmem:s22+$0x3060 ss:$0x81] =	vst.msk $0xffff, v4  }
0x11: {  	v60 =	vld [tilespmem:s21+$0x0];
	[tilespmem:s22+$0x0 ss:$0x81] =	vst.msk $0xffff, v0;
	s20 =	sadd.s32 s23, s20  }
0x12: {  	s25 =	sshll.u32 s18, $0xB;
	s26 =	sshll.u32 s15, $0x3;
	v61 =	vld [tilespmem:s21+$0x10];
	s27 =	sshll.u32 s18, $0x7;
	[tilespmem:s20+$0x3870 ss:$0x81] =	vst.msk $0xffff, v1  }
0x13: {  	v62 =	vld [tilespmem:s21+$0x20];
	s28 =	sand.u32 $0x78, s15;
	s16 =	smul.u32 $0x140000, s16;
	s17 =	sshll.u32 s17, $0x10;
	[tilespmem:s20+$0x810 ss:$0x81] =	vst.msk $0xffff, v5  }
0x14: {  	v63 =	vld [tilespmem:s21+$0xFFFFFFC0];
	s30 =	sand.u32 $0x7, s15;
	s22 =	sand.u32 $0x7C000, s25;
	s24 =	sand.u32 $0x7FC00, s26;
	[tilespmem:s20+$0x1020 ss:$0x81] =	vst.msk $0xffff, v58  }
0x15: {  	s18 =	sand.u32 $0x380, s27;
	s23 =	sand.u32 $0x400, s26;
	s22 =	sadd.s32 s24, s22;
	[tilespmem:s20+$0x1830 ss:$0x81] =	vst.msk $0xffff, v59  }
0x16: {  	s17 =	sadd.s32 s4, s17;
	s21 =	sor.u32 s28, s23;
	s29 =	sshrl.u32 s22, $0x3;
	[tilespmem:s20+$0x2040 ss:$0x81] =	vst.msk $0xffff, v60  }
0x17: {  	s16 =	sadd.s32 s16, s17;
	s18 =	sor.u32 s18, s21;
	s21 =	sand.u32 $0xFF00, s29;
	[tilespmem:s20+$0x2850 ss:$0x81] =	vst.msk $0xffff, v61  }
0x18: {  	s15 =	sshll.u32 s30, $0x12;
	s31 =	sshrl.u32 s18, $0x3;
	[tilespmem:s20+$0x3060 ss:$0x81] =	vst.msk $0xffff, v62;
	s16 =	sadd.s32 s21, s16  }
0x19: {  	s15 =	sor.u32 $0x400, s15;
	[tilespmem:s20+$0x0 ss:$0x81] =	vst.msk $0xffff, v63;
	s16 =	sadd.s32 s31, s16  }
0x1a: {  	[hbm4b:s16+s15] =	stream.strided.scatter [tilespmem:s19], [sflag:$0x2], $0x4000, s9, s15, $0x20;
	[tilespmem:$0x10100] =	vst v63  }
.LBB1_5:
0x1b: {  	s19 =	sadd.s32 $0x80, s10  }
0x1c: {  	s15 =	sadd.s32 $0x2, s11;
	s20 =	smov.u32 s11;
	p2 =	sgt.s32 s19, $0xFF  }
0x1d: {  	s20 =	smov.u32 @p2 s15  }
0x1e: {  	s15 =	simm.s32 $0x1;
	p3 =	sgt.s32 s20, $0x3  }
0x1f: {  	s15 =	simm.s32 @!p3 $0x0  }
0x20: {  	s21 =	sadd.s32 s15, s12  }
0x21: {  	s22 =	smov.u32 s13;
	s15 =	sadd.s32 $0x800, s13;
	p4 =	sgt.s32 s21, $0x13  }
0x22: {  	p1 =	slt.u32 s14, $0x2;
	s22 =	smov.u32 @p4 s15  }
0x23: {  	s18 =	smov.u32 s10;
	s19 =	simm.s32 @p2 $0x0;
	p2 =	sgt.s32 s22, $0x7FF  }
0x24: {  	s23 =	simm.s32 @!p1 $0x2;
	s22 =	smov.u32 @p2 s1;
	p2 =	sne.s32 s14, s8  }
.Ltmp1:
0x25: {  	s16 =	smov.u32 s11;
	_ =	swait.ge @!p1 [sflag:s23], $0x4000;
	(pc) =	sbr.rel @!p2 .LBB1_6-.Ltmp1, $4  }
0x26: {  	s17 =	smov.u32 s12;
	p0 =	por !p0, !p0;
	[sflag:s23] =	ssyncset.done @!p1 $0x0  }
0x27: {  	s10 =	smov.u32 s19;
	s20 =	smov.u32 @p3 s2;
	[sflag:s23] =	ssyncadd.s32 @!p1 $0xFFFFC000  }
0x28: {  	s11 =	smov.u32 s20;
	s21 =	simm.s32 @p4 $0x0;
	s15 =	smov.u32 s13  }
0x29: {  	s12 =	smov.u32 s21;
	s14 =	sadd.s32 $0x1, s14;
	s13 =	smov.u32 s22  }
.LBB1_1:
0x2a: {  	p1 =	sge.u32 s14, s6  }
0x2b: {  	s31 =	sadd.s32 $0xFFFFFFFF, s14;
	s19 =	sxor.u32 @!p1 $0xFFFFFFFF, s14;
	s20 =	sand.u32 @!p1 $0x78, s10  }
0x2c: {  	s21 =	sshll.u32 @!p1 s11, $0x7;
	s22 =	sshll.u32 @!p1 s10, $0x2;
	s23 =	smul.u32 @!p1 $0xA00, s13  }
0x2d: {  	s24 =	sshll.u32 @!p1 s12, $0x7;
	s19 =	sshll.u32 @!p1 s19, $0xE;
	s21 =	sand.u32 @!p1 $0x180, s21  }
0x2e: {  	s22 =	sand.u32 @!p1 $0x200, s22;
	s19 =	sand.u32 @!p1 $0x4000, s19;
	s20 =	sor.u32 @!p1 s20, s21  }
0x2f: {  	s21 =	sadd.s32 @!p1 s7, s23;
	s20 =	sor.u32 @!p1 s22, s20;
	s22 =	sand.u32 @!p1 $0x7, s10  }
0x30: {  	s21 =	sadd.s32 @!p1 s24, s21;
	s20 =	sshrl.u32 @!p1 s20, $0x3;
	s22 =	sshll.u32 @!p1 s22, $0x12  }
0x31: {  	s20 =	sadd.s32 @!p1 s20, s21;
	s21 =	sor.u32 @!p1 $0x80, s22;
	s22 =	simm.s32 @!p1 $0x5000  }
0x32: {  	[tilespmem:s19], [sflag:$0x1] =	stream.strided.gather @!p1 [hbm4b:s20+s21], $0x4000, s22, s21, $0x38;
	[tilespmem:$0x10100] =	vst v63  }
0x33: {  	p1 =	sge.u32 s31, s6  }
.Ltmp2:
0x34: {  	_ = 	snop;
	(pc) =	sbr.rel @p1 .LBB1_5-.Ltmp2, $1  }
0x35: {  	_ =	sdelay $0x3  }
0x36: {  	s19 =	simm.s32 $0x1  }
0x37: {  	_ =	swait.ge [sflag:s5], $0x4000;
	s19 =	simm.s32 @!p0 $0x0  }
0x38: {  	[sflag:s5] =	ssyncset.done $0x0;
	s20 =	sshll.u32 s19, $0xE  }
0x39: {  	[sflag:s5] =	ssyncadd.s32 $0xFFFFC000;
	s21 =	sor.u32 $0x40, s20  }
0x3a: {  	s19 =	smul.u32 $0x10200, s19;
	v0 =	vld [tilespmem:s21+$0x30]  }
0x3b: {  	v1 =	vld [tilespmem:s21+$0xFFFFFFD0]  }
0x3c: {  	s19 =	sshrl.u32 s19, $0x2;
	v5 =	vld [tilespmem:s21+$0xFFFFFFE0]  }
0x3d: {  	v6 =	vld [tilespmem:s21+$0xFFFFFFF0];
	s20 =	sor.u32 $0x8000, s19  }
0x3e: {  	s31 =	sand.u32 $0x1, s14;
	v2 =	vld [tilespmem:s21+$0x0];
	s22 =	sadd.s32 $0x0, s20  }
0x3f: {  	v3 =	vld [tilespmem:s21+$0x10];
	s19 =	smul.u32 $0x10200, s31;
	[tilespmem:s22+$0x3870 ss:$0x81] =	vst.msk $0xffff, v0  }
0x40: {  	v4 =	vld [tilespmem:s21+$0x20];
	[tilespmem:s22+$0x810 ss:$0x81] =	vst.msk $0xffff, v1  }
0x41: {  	s19 =	sshrl.u32 s19, $0x2;
	v0 =	vld [tilespmem:s21+$0xFFFFFFC0];
	[tilespmem:s22+$0x1020 ss:$0x81] =	vst.msk $0xffff, v5;
	s21 =	sadd.s32 $0x80, s21  }
0x42: {  	s23 =	simm.s32 $0x4;
	s24 =	simm.s32 $0x8;
	s19 =	sor.u32 $0x8000, s19;
	[tilespmem:s22+$0x1830 ss:$0x81] =	vst.msk $0xffff, v6;
	v1 =	vld [tilespmem:s21+$0x30]  }
.LBB1_3:
0x43: {  	p1 =	sne.s32 s24, $0x1FC;
	v5 =	vld [tilespmem:s21+$0xFFFFFFD0];
	[tilespmem:s22+$0x2040 ss:$0x81] =	vst.msk $0xffff, v2  }
0x44: {  	v6 =	vld [tilespmem:s21+$0xFFFFFFE0];
	[tilespmem:s22+$0x2850 ss:$0x81] =	vst.msk $0xffff, v3  }
0x45: {  	s25 =	sshra.s32 s23, $0x2;
	s23 =	smov.u32 s24;
	v7 =	vld [tilespmem:s21+$0xFFFFFFF0];
	[tilespmem:s22+$0x3060 ss:$0x81] =	vst.msk $0xffff, v4  }
.Ltmp3:
0x46: {  	v2 =	vld [tilespmem:s21+$0x0];
	[tilespmem:s22+$0x0 ss:$0x81] =	vst.msk $0xffff, v0;
	s22 =	sadd.s32 s25, s20;
	(pc) =	sbr.rel @p1 .LBB1_3-.Ltmp3, $4  }
0x47: {  	v3 =	vld [tilespmem:s21+$0x10];
	[tilespmem:s22+$0x3870 ss:$0x81] =	vst.msk $0xffff, v1  }
0x48: {  	[tilespmem:s22+$0x810 ss:$0x81] =	vst.msk $0xffff, v5;
	v4 =	vld [tilespmem:s21+$0x20]  }
0x49: {  	v0 =	vld [tilespmem:s21+$0xFFFFFFC0];
	[tilespmem:s22+$0x1020 ss:$0x81] =	vst.msk $0xffff, v6;
	s21 =	sadd.s32 $0x80, s21  }
0x4a: {  	s24 =	sadd.s32 $0x4, s24;
	v1 =	vld [tilespmem:s21+$0x30];
	[tilespmem:s22+$0x1830 ss:$0x81] =	vst.msk $0xffff, v7  }
.Ltmp4:
0x4b: {  	_ = 	snop;
	(pc) =	sbr.rel .LBB1_4-.Ltmp4, $1  }
0x4c: {  	_ =	sdelay $0x3  }
.LBB1_6:
0x4d: {  	_ =	sfence.sel $0x180000  }
0x4e: {  	s1 =	simm.s32 $0x1;
	[bflag:$0x0] =	sbarrier.arrive $0xFFFF  }
0x4f: {  	s31 =	simm.s32 $0x2;
	[sflag:s1] =	ssyncpa.u1 $0x1  }
0x50: {  	[sflag:s31] =	ssyncpa.u1 $0x1  }
0x51: {  	p0 =	sne.s32 s0, $0x0;
	_ =	strace $0x9000004A  }
0x52: {  	s0 =	sadd.s32 @!p0 $0x100000, s3;
	[bflag:$0x2] =	sbarrier.arrive $0xFFFF  }
0x53: {  	[sflag:s0] =	ssyncadd.tile.s32 @!p0 $0x1;
	_ =	shalt  }
.Lfunc_end1:
_tile_overlayer_lowered:
.L_overlay_start_2:
0x54: {  	(tag) =	ssettag $0x2  }
0x55: {  	s0 =	rddreg [dreg:$0x0];
	s2 =	stileid.u32  }
0x56: {  	s1 =	rddreg [dreg:$0x1];
	p0 =	sne.s32 s2, $0x0  }
0x57: {  	s3 =	rddreg [dreg:$0x2];
	[bflag:$0x3] =	sbarrier.arrive $0xFFFF;
	s2 =	simm.s32 @!p0 $0x1C01  }
0x58: {  	[timem:s3], [sflag:s2] =	dma.local @!p0 [hbm:s0], s1  }
0x59: {  	s0 =	simm.s32 @!p0 $0x1  }
0x5a: {  	_ =	swait.ge @!p0 [sflag:s0], s1  }
0x5b: {  	s1 =	ssub.s32 @!p0 $0x0, s1;
	[sflag:s0] =	ssyncset.done @!p0 $0x0  }
0x5c: {  	[sflag:s0] =	ssyncadd.s32 @!p0 s1  }
0x5d: {  	[bflag:$0x3] =	sbarrier.arrive $0xFFFF  }
0x5e: {  	_ =	shalt  }

</sc_bundles>
